<compile_context>
chip_gen: v7x
topology: tpu7x:2x2x1
jax: 0.10.2.dev20260603
libtpu: 0.0.44.dev20260713+nightly
codegen_flags: <defaults>
</compile_context>

<pallas_src>
import functools

import jax
import jax.numpy as jnp
from jax import lax
from jax.experimental import pallas as pl
from jax.experimental.pallas import tpu as pltpu
from jax.experimental.pallas import tpu_sc as plsc

_N = 1048576
_NC, _NS, _L = 2, 16, 16
_NW = _NC * _NS

_N_SC = 262144
_CHUNK = _N_SC // _NW
_P = _CHUNK // 2
_ALPHA = 0.1

_ROWS = 128
_N_TC = _N - _N_SC
_TC_BLOCK_R = 1024
_TC_OFF_B = _N_SC // _ROWS // _TC_BLOCK_R
_TC_STEPS = _N_TC // _ROWS // _TC_BLOCK_R // 2

_mesh = plsc.VectorSubcoreMesh(core_axis_name="c", subcore_axis_name="s")


@functools.partial(
    pl.kernel,
    mesh=_mesh,
    compiler_params=pltpu.CompilerParams(
        needs_layout_passes=False,
        disable_bounds_checks=True,
        skip_device_barrier=True,
    ),
    out_type=jax.ShapeDtypeStruct((_NW, _L), jnp.float32),
    scratch_types=[
        pltpu.VMEM((2, _P), jnp.float32),
        pltpu.VMEM((2, _P), jnp.int32),
        pltpu.VMEM((100,), jnp.float32),
        pltpu.VMEM((_L,), jnp.float32),
        pltpu.SemaphoreType.DMA,
        pltpu.SemaphoreType.DMA,
        pltpu.SemaphoreType.DMA,
        pltpu.SemaphoreType.DMA,
        pltpu.SemaphoreType.DMA,
    ],
)
def _pinball_sc(s_hbm, y_hbm, t_hbm, out_hbm,
                s_v, y_v, t_v, o_v, sem_s0, sem_s1, sem_y0, sem_y1, sem_t):
    wid = lax.axis_index("s") * _NC + lax.axis_index("c")
    base = wid * _CHUNK
    sem_s = (sem_s0, sem_s1)
    sem_y = (sem_y0, sem_y1)

    cp_t = pltpu.async_copy(t_hbm, t_v, sem_t)

    def start(k):
        b = k % 2
        cs = pltpu.async_copy(
            s_hbm.at[pl.ds(base + k * _P, _P)], s_v.at[b], sem_s[b])
        cy = pltpu.async_copy(
            y_hbm.at[pl.ds(base + k * _P, _P)], y_v.at[b], sem_y[b])
        return cs, cy

    pend = start(0)
    cp_t.wait()

    z = jnp.zeros((_L,), jnp.float32)
    accs = (z, z)
    for k in range(2):
        b = k % 2
        cs, cy = pend
        if k + 1 < 2:
            pend = start(k + 1)
        cs.wait()
        cy.wait()

        def step(i, accs, _b=b):
            a0, a1 = accs
            s0 = s_v[_b, pl.ds(i, _L)]
            idx0 = y_v[_b, pl.ds(i, _L)]
            s1 = s_v[_b, pl.ds(i + _L, _L)]
            idx1 = y_v[_b, pl.ds(i + _L, _L)]
            d0 = plsc.load_gather(t_v, [idx0]) - s0
            d1 = plsc.load_gather(t_v, [idx1]) - s1
            a0 = a0 + jnp.maximum((1.0 - _ALPHA) * d0, -_ALPHA * d0)
            a1 = a1 + jnp.maximum((1.0 - _ALPHA) * d1, -_ALPHA * d1)
            return a0, a1

        accs = plsc.parallel_loop(0, _P, 2 * _L, unroll=8, carry=accs)(step)

    o_v[...] = accs[0] + accs[1]
    pltpu.sync_copy(o_v, out_hbm.at[wid])


def _pinball_tc_body(sa_ref, sb_ref, ya_ref, yb_ref, t_ref, o_ref,
                     acc_ref, tbl_ref):
    i = pl.program_id(0)

    @pl.when(i == 0)
    def _():
        t128 = jnp.concatenate(
            [t_ref[...], jnp.zeros((_ROWS - 100,), jnp.float32)]
        ).reshape(1, _ROWS)
        tbl_ref[...] = jnp.broadcast_to(t128, (_TC_BLOCK_R, _ROWS))

    def blk_loss(s_ref, y_ref):
        q = jnp.take_along_axis(tbl_ref[...], y_ref[...], axis=1,
                                mode="promise_in_bounds")
        d = q - s_ref[...]
        loss = jnp.maximum((1.0 - _ALPHA) * d, -_ALPHA * d)
        return loss.reshape(_TC_BLOCK_R // 8, 8, _ROWS).sum(axis=0)

    part = blk_loss(sa_ref, ya_ref) + blk_loss(sb_ref, yb_ref)

    @pl.when(i == 0)
    def _():
        acc_ref[...] = part

    @pl.when(i > 0)
    def _():
        acc_ref[...] += part

    @pl.when(i == _TC_STEPS - 1)
    def _():
        o_ref[0, 0] = jnp.sum(acc_ref[...])


_pinball_tc = pl.pallas_call(
    _pinball_tc_body,
    grid=(_TC_STEPS,),
    in_specs=[
        pl.BlockSpec((_TC_BLOCK_R, _ROWS), lambda i: (i + _TC_OFF_B, 0)),
        pl.BlockSpec((_TC_BLOCK_R, _ROWS),
                     lambda i: (i + _TC_OFF_B + _TC_STEPS, 0)),
        pl.BlockSpec((_TC_BLOCK_R, _ROWS), lambda i: (i + _TC_OFF_B, 0)),
        pl.BlockSpec((_TC_BLOCK_R, _ROWS),
                     lambda i: (i + _TC_OFF_B + _TC_STEPS, 0)),
        pl.BlockSpec((100,), lambda i: (0,)),
    ],
    out_specs=pl.BlockSpec(memory_space=pltpu.SMEM),
    out_shape=jax.ShapeDtypeStruct((1, 1), jnp.float32),
    scratch_shapes=[pltpu.VMEM((8, _ROWS), jnp.float32),
                    pltpu.VMEM((_TC_BLOCK_R, _ROWS), jnp.float32)],
)


def kernel(S, Y, y_pred):
    Yi = Y.astype(jnp.int32)
    sc_partials = _pinball_sc(S, Yi, y_pred)
    s2 = S.reshape(_N // _ROWS, _ROWS)
    y2 = Yi.reshape(_N // _ROWS, _ROWS)
    tc_part = _pinball_tc(s2, s2, y2, y2, y_pred)
    return (jnp.sum(sc_partials) + tc_part[0, 0]) / _N

# --- scband reference (transcript-rebuilt; emitter-appended) ---
"""Pipeline reference for scband-pinball-class-82600811036696 (READ-ONLY COPY).

The authoritative reference and input builder live on the scoring server;
editing this copy changes nothing except your own understanding.
"""

import jax, jax.numpy as jnp
import numpy as np


def setup_inputs(seed: int = 0) -> dict:
    key = jax.random.key(seed)
    k1, k2, k3 = jax.random.split(key, 3)
    N = 1048576
    num_classes = 100
    S = jax.random.normal(k1, (N,), dtype=jnp.float32)
    Y = jax.random.randint(k2, (N,), 0, num_classes, dtype=jnp.int64)
    # learned parameter: y_pred = torch.rand(num_classes)
    y_pred = jax.random.uniform(k3, (num_classes,), dtype=jnp.float32)
    return {"S": S, "Y": Y, "y_pred": y_pred}


def reference(S, Y, y_pred):
    alpha = 0.1
    q = jnp.take(y_pred, Y, axis=0)
    loss = jnp.where(q >= S, (1.0 - alpha) * (q - S), alpha * (S - q))
    return jnp.mean(loss)

if __name__ == "__main__":
    import jax
    _d = setup_inputs()
    print(jax.jit(kernel)(*tuple(_d.values())))

</pallas_src>

<mosaic_0001>
#map = affine_map<(d0, d1) -> (0)>
#map1 = affine_map<(d0, d1) -> (0, 0)>
module attributes {stable_mosaic.version = 14 : i64} {
  func.func @_pinball_sc(%arg0: i32, %arg1: i32, %arg2: memref<1048576xf32, #tpu.memory_space<hbm>>, %arg3: memref<1048576xi32, #tpu.memory_space<hbm>>, %arg4: memref<100xf32, #tpu.memory_space<hbm>>, %arg5: memref<32x16xf32, #tpu.memory_space<hbm>>, %arg6: memref<2x4096xf32, #tpu.memory_space<vmem>>, %arg7: memref<2x4096xi32, #tpu.memory_space<vmem>>, %arg8: memref<100xf32, #tpu.memory_space<vmem>>, %arg9: memref<16xf32, #tpu.memory_space<vmem>>, %arg10: memref<!tpu.dma_semaphore, #tpu.memory_space<semaphore_mem>>, %arg11: memref<!tpu.dma_semaphore, #tpu.memory_space<semaphore_mem>>, %arg12: memref<!tpu.dma_semaphore, #tpu.memory_space<semaphore_mem>>, %arg13: memref<!tpu.dma_semaphore, #tpu.memory_space<semaphore_mem>>, %arg14: memref<!tpu.dma_semaphore, #tpu.memory_space<semaphore_mem>>) attributes {dimension_semantics = [#tpu.dimension_semantics<core_parallel>, #tpu.dimension_semantics<subcore_parallel>], iteration_bounds = array<i64: 2, 16>, scalar_prefetch = 0 : i64, scratch_operands = 9 : i64, tpu.core_type = #tpu.core_type<sc_vector_subcore>, window_params = [{transform_indices = #map}, {transform_indices = #map}, {transform_indices = #map}, {transform_indices = #map1}]} {
    %mul3A = arith.constant 2 : i32
    %mul3A_0 = arith.muli %arg1, %mul3A : i32
    %add3A = arith.addi %mul3A_0, %arg0 : i32
    %mul3A_1 = arith.constant 8192 : i32
    %mul3A_2 = arith.muli %add3A, %mul3A_1 : i32
    tpu.enqueue_dma source(%arg4 : memref<100xf32, #tpu.memory_space<hbm>>) target(%arg8 : memref<100xf32, #tpu.memory_space<vmem>>) target_semaphore(%arg14 : memref<!tpu.dma_semaphore, #tpu.memory_space<semaphore_mem>>)
    %add3A_3 = arith.constant 0 : i32
    %add3A_4 = arith.addi %mul3A_2, %add3A_3 : i32
    %dma_start3A = arith.constant 0 : i32
    %dma_start3A_5 = arith.constant 0 : i32
    %dma_start3A_6 = tpu.memref_slice %arg6[%dma_start3A, %dma_start3A_5] : memref<2x4096xf32, #tpu.memory_space<vmem>> -> memref<1x4096xf32, #tpu.memory_space<vmem>>
    %dma_start3A_7 = tpu.memref_squeeze %dma_start3A_6 : memref<1x4096xf32, #tpu.memory_space<vmem>> -> memref<4096xf32, #tpu.memory_space<vmem>>
    %dma_start3A_8 = tpu.memref_slice %arg2[%add3A_4] : memref<1048576xf32, #tpu.memory_space<hbm>> -> memref<4096xf32, #tpu.memory_space<hbm>>
    %dma_start3A_9 = arith.constant 0 : i32
    %dma_start3A_10 = tpu.memref_slice %arg6[%dma_start3A, %dma_start3A_9] : memref<2x4096xf32, #tpu.memory_space<vmem>> -> memref<1x4096xf32, #tpu.memory_space<vmem>>
    %dma_start3A_11 = tpu.memref_squeeze %dma_start3A_10 : memref<1x4096xf32, #tpu.memory_space<vmem>> -> memref<4096xf32, #tpu.memory_space<vmem>>
    %dma_start3A_12 = tpu.memref_slice %arg2[%add3A_4] : memref<1048576xf32, #tpu.memory_space<hbm>> -> memref<4096xf32, #tpu.memory_space<hbm>>
    tpu.enqueue_dma source(%dma_start3A_12 : memref<4096xf32, #tpu.memory_space<hbm>>) target(%dma_start3A_11 : memref<4096xf32, #tpu.memory_space<vmem>>) target_semaphore(%arg10 : memref<!tpu.dma_semaphore, #tpu.memory_space<semaphore_mem>>)
    %add3A_13 = arith.constant 0 : i32
    %add3A_14 = arith.addi %mul3A_2, %add3A_13 : i32
    %dma_start3A_15 = arith.constant 0 : i32
    %dma_start3A_16 = arith.constant 0 : i32
    %dma_start3A_17 = tpu.memref_slice %arg7[%dma_start3A_15, %dma_start3A_16] : memref<2x4096xi32, #tpu.memory_space<vmem>> -> memref<1x4096xi32, #tpu.memory_space<vmem>>
    %dma_start3A_18 = tpu.memref_squeeze %dma_start3A_17 : memref<1x4096xi32, #tpu.memory_space<vmem>> -> memref<4096xi32, #tpu.memory_space<vmem>>
    %dma_start3A_19 = tpu.memref_slice %arg3[%add3A_14] : memref<1048576xi32, #tpu.memory_space<hbm>> -> memref<4096xi32, #tpu.memory_space<hbm>>
    %dma_start3A_20 = arith.constant 0 : i32
    %dma_start3A_21 = tpu.memref_slice %arg7[%dma_start3A_15, %dma_start3A_20] : memref<2x4096xi32, #tpu.memory_space<vmem>> -> memref<1x4096xi32, #tpu.memory_space<vmem>>
    %dma_start3A_22 = tpu.memref_squeeze %dma_start3A_21 : memref<1x4096xi32, #tpu.memory_space<vmem>> -> memref<4096xi32, #tpu.memory_space<vmem>>
    %dma_start3A_23 = tpu.memref_slice %arg3[%add3A_14] : memref<1048576xi32, #tpu.memory_space<hbm>> -> memref<4096xi32, #tpu.memory_space<hbm>>
    tpu.enqueue_dma source(%dma_start3A_23 : memref<4096xi32, #tpu.memory_space<hbm>>) target(%dma_start3A_22 : memref<4096xi32, #tpu.memory_space<vmem>>) target_semaphore(%arg12 : memref<!tpu.dma_semaphore, #tpu.memory_space<semaphore_mem>>)
    tpu.wait_dma2 semaphore(%arg14 : memref<!tpu.dma_semaphore, #tpu.memory_space<semaphore_mem>>) src(%arg4 : memref<100xf32, #tpu.memory_space<hbm>>) dst(%arg8 : memref<100xf32, #tpu.memory_space<vmem>>)
    %broadcast_in_dim3A = arith.constant 0.000000e+00 : f32
    %broadcast_in_dim3A_24 = vector.broadcast %broadcast_in_dim3A : f32 to vector<16xf32>
    %add3A_25 = arith.constant 4096 : i32
    %add3A_26 = arith.addi %mul3A_2, %add3A_25 : i32
    %dma_start3A_27 = arith.constant 1 : i32
    %dma_start3A_28 = arith.constant 0 : i32
    %dma_start3A_29 = tpu.memref_slice %arg6[%dma_start3A_27, %dma_start3A_28] : memref<2x4096xf32, #tpu.memory_space<vmem>> -> memref<1x4096xf32, #tpu.memory_space<vmem>>
    %dma_start3A_30 = tpu.memref_squeeze %dma_start3A_29 : memref<1x4096xf32, #tpu.memory_space<vmem>> -> memref<4096xf32, #tpu.memory_space<vmem>>
    %dma_start3A_31 = tpu.memref_slice %arg2[%add3A_26] : memref<1048576xf32, #tpu.memory_space<hbm>> -> memref<4096xf32, #tpu.memory_space<hbm>>
    %dma_start3A_32 = arith.constant 0 : i32
    %dma_start3A_33 = tpu.memref_slice %arg6[%dma_start3A_27, %dma_start3A_32] : memref<2x4096xf32, #tpu.memory_space<vmem>> -> memref<1x4096xf32, #tpu.memory_space<vmem>>
    %dma_start3A_34 = tpu.memref_squeeze %dma_start3A_33 : memref<1x4096xf32, #tpu.memory_space<vmem>> -> memref<4096xf32, #tpu.memory_space<vmem>>
    %dma_start3A_35 = tpu.memref_slice %arg2[%add3A_26] : memref<1048576xf32, #tpu.memory_space<hbm>> -> memref<4096xf32, #tpu.memory_space<hbm>>
    tpu.enqueue_dma source(%dma_start3A_35 : memref<4096xf32, #tpu.memory_space<hbm>>) target(%dma_start3A_34 : memref<4096xf32, #tpu.memory_space<vmem>>) target_semaphore(%arg11 : memref<!tpu.dma_semaphore, #tpu.memory_space<semaphore_mem>>)
    %add3A_36 = arith.constant 4096 : i32
    %add3A_37 = arith.addi %mul3A_2, %add3A_36 : i32
    %dma_start3A_38 = arith.constant 1 : i32
    %dma_start3A_39 = arith.constant 0 : i32
    %dma_start3A_40 = tpu.memref_slice %arg7[%dma_start3A_38, %dma_start3A_39] : memref<2x4096xi32, #tpu.memory_space<vmem>> -> memref<1x4096xi32, #tpu.memory_space<vmem>>
    %dma_start3A_41 = tpu.memref_squeeze %dma_start3A_40 : memref<1x4096xi32, #tpu.memory_space<vmem>> -> memref<4096xi32, #tpu.memory_space<vmem>>
    %dma_start3A_42 = tpu.memref_slice %arg3[%add3A_37] : memref<1048576xi32, #tpu.memory_space<hbm>> -> memref<4096xi32, #tpu.memory_space<hbm>>
    %dma_start3A_43 = arith.constant 0 : i32
    %dma_start3A_44 = tpu.memref_slice %arg7[%dma_start3A_38, %dma_start3A_43] : memref<2x4096xi32, #tpu.memory_space<vmem>> -> memref<1x4096xi32, #tpu.memory_space<vmem>>
    %dma_start3A_45 = tpu.memref_squeeze %dma_start3A_44 : memref<1x4096xi32, #tpu.memory_space<vmem>> -> memref<4096xi32, #tpu.memory_space<vmem>>
    %dma_start3A_46 = tpu.memref_slice %arg3[%add3A_37] : memref<1048576xi32, #tpu.memory_space<hbm>> -> memref<4096xi32, #tpu.memory_space<hbm>>
    tpu.enqueue_dma source(%dma_start3A_46 : memref<4096xi32, #tpu.memory_space<hbm>>) target(%dma_start3A_45 : memref<4096xi32, #tpu.memory_space<vmem>>) target_semaphore(%arg13 : memref<!tpu.dma_semaphore, #tpu.memory_space<semaphore_mem>>)
    %dma_wait3A = arith.constant 0 : i32
    %dma_wait3A_47 = arith.constant 0 : i32
    %dma_wait3A_48 = tpu.memref_slice %arg6[%dma_wait3A, %dma_wait3A_47] : memref<2x4096xf32, #tpu.memory_space<vmem>> -> memref<1x4096xf32, #tpu.memory_space<vmem>>
    %dma_wait3A_49 = tpu.memref_squeeze %dma_wait3A_48 : memref<1x4096xf32, #tpu.memory_space<vmem>> -> memref<4096xf32, #tpu.memory_space<vmem>>
    %dma_wait3A_50 = tpu.memref_slice %arg2[%add3A_4] : memref<1048576xf32, #tpu.memory_space<hbm>> -> memref<4096xf32, #tpu.memory_space<hbm>>
    %dma_wait3A_51 = arith.constant 0 : i32
    %dma_wait3A_52 = tpu.memref_slice %arg6[%dma_wait3A, %dma_wait3A_51] : memref<2x4096xf32, #tpu.memory_space<vmem>> -> memref<1x4096xf32, #tpu.memory_space<vmem>>
    %dma_wait3A_53 = tpu.memref_squeeze %dma_wait3A_52 : memref<1x4096xf32, #tpu.memory_space<vmem>> -> memref<4096xf32, #tpu.memory_space<vmem>>
    %dma_wait3A_54 = tpu.memref_slice %arg2[%add3A_4] : memref<1048576xf32, #tpu.memory_space<hbm>> -> memref<4096xf32, #tpu.memory_space<hbm>>
    tpu.wait_dma2 semaphore(%arg10 : memref<!tpu.dma_semaphore, #tpu.memory_space<semaphore_mem>>) src(%dma_wait3A_54 : memref<4096xf32, #tpu.memory_space<hbm>>) dst(%dma_wait3A_53 : memref<4096xf32, #tpu.memory_space<vmem>>)
    %dma_wait3A_55 = arith.constant 0 : i32
    %dma_wait3A_56 = arith.constant 0 : i32
    %dma_wait3A_57 = tpu.memref_slice %arg7[%dma_wait3A_55, %dma_wait3A_56] : memref<2x4096xi32, #tpu.memory_space<vmem>> -> memref<1x4096xi32, #tpu.memory_space<vmem>>
    %dma_wait3A_58 = tpu.memref_squeeze %dma_wait3A_57 : memref<1x4096xi32, #tpu.memory_space<vmem>> -> memref<4096xi32, #tpu.memory_space<vmem>>
    %dma_wait3A_59 = tpu.memref_slice %arg3[%add3A_14] : memref<1048576xi32, #tpu.memory_space<hbm>> -> memref<4096xi32, #tpu.memory_space<hbm>>
    %dma_wait3A_60 = arith.constant 0 : i32
    %dma_wait3A_61 = tpu.memref_slice %arg7[%dma_wait3A_55, %dma_wait3A_60] : memref<2x4096xi32, #tpu.memory_space<vmem>> -> memref<1x4096xi32, #tpu.memory_space<vmem>>
    %dma_wait3A_62 = tpu.memref_squeeze %dma_wait3A_61 : memref<1x4096xi32, #tpu.memory_space<vmem>> -> memref<4096xi32, #tpu.memory_space<vmem>>
    %dma_wait3A_63 = tpu.memref_slice %arg3[%add3A_14] : memref<1048576xi32, #tpu.memory_space<hbm>> -> memref<4096xi32, #tpu.memory_space<hbm>>
    tpu.wait_dma2 semaphore(%arg12 : memref<!tpu.dma_semaphore, #tpu.memory_space<semaphore_mem>>) src(%dma_wait3A_63 : memref<4096xi32, #tpu.memory_space<hbm>>) dst(%dma_wait3A_62 : memref<4096xi32, #tpu.memory_space<vmem>>)
    %parallel_loop3A = arith.constant 0 : i32
    %parallel_loop3A_64 = arith.constant 4096 : i32
    %parallel_loop3A_65 = arith.constant 32 : i32
    %parallel_loop3A_66:2 = scf.for %parallel_loop3A_91 = %parallel_loop3A to %parallel_loop3A_64 step %parallel_loop3A_65 iter_args(%parallel_loop3A_92 = %broadcast_in_dim3A_24, %parallel_loop3A_93 = %broadcast_in_dim3A_24) -> (vector<16xf32>, vector<16xf32>)  : i32 {
      %parallel_loop3A_94 = arith.constant 0 : i32
      %parallel_loop3A_95 = arith.index_cast %parallel_loop3A_94 : i32 to index
      %parallel_loop3A_96 = arith.index_cast %parallel_loop3A_91 : i32 to index
      %parallel_loop3A_97 = tpu.vector_load %arg6[%parallel_loop3A_95, %parallel_loop3A_96] {strides = array<i32>} : memref<2x4096xf32, #tpu.memory_space<vmem>>, vector<16xf32>,
      %parallel_loop3A_98 = arith.constant 0 : i32
      %parallel_loop3A_99 = arith.index_cast %parallel_loop3A_98 : i32 to index
      %parallel_loop3A_100 = arith.index_cast %parallel_loop3A_91 : i32 to index
      %parallel_loop3A_101 = tpu.vector_load %arg7[%parallel_loop3A_99, %parallel_loop3A_100] {strides = array<i32>} : memref<2x4096xi32, #tpu.memory_space<vmem>>, vector<16xi32>,
      %parallel_loop3A_102 = arith.constant 16 : i32
      %parallel_loop3A_103 = arith.addi %parallel_loop3A_91, %parallel_loop3A_102 : i32
      %parallel_loop3A_104 = arith.constant 0 : i32
      %parallel_loop3A_105 = arith.index_cast %parallel_loop3A_104 : i32 to index
      %parallel_loop3A_106 = arith.index_cast %parallel_loop3A_103 : i32 to index
      %parallel_loop3A_107 = tpu.vector_load %arg6[%parallel_loop3A_105, %parallel_loop3A_106] {strides = array<i32>} : memref<2x4096xf32, #tpu.memory_space<vmem>>, vector<16xf32>,
      %parallel_loop3A_108 = arith.constant 16 : i32
      %parallel_loop3A_109 = arith.addi %parallel_loop3A_91, %parallel_loop3A_108 : i32
      %parallel_loop3A_110 = arith.constant 0 : i32
      %parallel_loop3A_111 = arith.index_cast %parallel_loop3A_110 : i32 to index
      %parallel_loop3A_112 = arith.index_cast %parallel_loop3A_109 : i32 to index
      %parallel_loop3A_113 = tpu.vector_load %arg7[%parallel_loop3A_111, %parallel_loop3A_112] {strides = array<i32>} : memref<2x4096xi32, #tpu.memory_space<vmem>>, vector<16xi32>,
      %parallel_loop3A_114 = tpu.vector_load_idx %arg8[%parallel_loop3A_101] : memref<100xf32, #tpu.memory_space<vmem>>[vector<16xi32>], vector<16xf32>,
      %parallel_loop3A_115 = arith.subf %parallel_loop3A_114, %parallel_loop3A_97 : vector<16xf32>
      %parallel_loop3A_116 = tpu.vector_load_idx %arg8[%parallel_loop3A_113] : memref<100xf32, #tpu.memory_space<vmem>>[vector<16xi32>], vector<16xf32>,
      %parallel_loop3A_117 = arith.subf %parallel_loop3A_116, %parallel_loop3A_107 : vector<16xf32>
      %parallel_loop3A_118 = arith.constant 0.899999976 : f32
      %parallel_loop3A_119 = vector.broadcast %parallel_loop3A_118 : f32 to vector<16xf32>
      %parallel_loop3A_120 = arith.mulf %parallel_loop3A_119, %parallel_loop3A_115 : vector<16xf32>
      %parallel_loop3A_121 = arith.constant -1.000000e-01 : f32
      %parallel_loop3A_122 = vector.broadcast %parallel_loop3A_121 : f32 to vector<16xf32>
      %parallel_loop3A_123 = arith.mulf %parallel_loop3A_122, %parallel_loop3A_115 : vector<16xf32>
      %parallel_loop3A_124 = arith.maximumf %parallel_loop3A_120, %parallel_loop3A_123 : vector<16xf32>
      %parallel_loop3A_125 = arith.addf %parallel_loop3A_92, %parallel_loop3A_124 : vector<16xf32>
      %parallel_loop3A_126 = arith.constant 0.899999976 : f32
      %parallel_loop3A_127 = vector.broadcast %parallel_loop3A_126 : f32 to vector<16xf32>
      %parallel_loop3A_128 = arith.mulf %parallel_loop3A_127, %parallel_loop3A_117 : vector<16xf32>
      %parallel_loop3A_129 = arith.constant -1.000000e-01 : f32
      %parallel_loop3A_130 = vector.broadcast %parallel_loop3A_129 : f32 to vector<16xf32>
      %parallel_loop3A_131 = arith.mulf %parallel_loop3A_130, %parallel_loop3A_117 : vector<16xf32>
      %parallel_loop3A_132 = arith.maximumf %parallel_loop3A_128, %parallel_loop3A_131 : vector<16xf32>
      %parallel_loop3A_133 = arith.addf %parallel_loop3A_93, %parallel_loop3A_132 : vector<16xf32>
      scf.yield %parallel_loop3A_125, %parallel_loop3A_133 : vector<16xf32>, vector<16xf32>
    } {sc.loop_unroll_factor = 8 : i64, sc.parallel_access}
    %dma_wait3A_67 = arith.constant 1 : i32
    %dma_wait3A_68 = arith.constant 0 : i32
    %dma_wait3A_69 = tpu.memref_slice %arg6[%dma_wait3A_67, %dma_wait3A_68] : memref<2x4096xf32, #tpu.memory_space<vmem>> -> memref<1x4096xf32, #tpu.memory_space<vmem>>
    %dma_wait3A_70 = tpu.memref_squeeze %dma_wait3A_69 : memref<1x4096xf32, #tpu.memory_space<vmem>> -> memref<4096xf32, #tpu.memory_space<vmem>>
    %dma_wait3A_71 = tpu.memref_slice %arg2[%add3A_26] : memref<1048576xf32, #tpu.memory_space<hbm>> -> memref<4096xf32, #tpu.memory_space<hbm>>
    %dma_wait3A_72 = arith.constant 0 : i32
    %dma_wait3A_73 = tpu.memref_slice %arg6[%dma_wait3A_67, %dma_wait3A_72] : memref<2x4096xf32, #tpu.memory_space<vmem>> -> memref<1x4096xf32, #tpu.memory_space<vmem>>
    %dma_wait3A_74 = tpu.memref_squeeze %dma_wait3A_73 : memref<1x4096xf32, #tpu.memory_space<vmem>> -> memref<4096xf32, #tpu.memory_space<vmem>>
    %dma_wait3A_75 = tpu.memref_slice %arg2[%add3A_26] : memref<1048576xf32, #tpu.memory_space<hbm>> -> memref<4096xf32, #tpu.memory_space<hbm>>
    tpu.wait_dma2 semaphore(%arg11 : memref<!tpu.dma_semaphore, #tpu.memory_space<semaphore_mem>>) src(%dma_wait3A_75 : memref<4096xf32, #tpu.memory_space<hbm>>) dst(%dma_wait3A_74 : memref<4096xf32, #tpu.memory_space<vmem>>)
    %dma_wait3A_76 = arith.constant 1 : i32
    %dma_wait3A_77 = arith.constant 0 : i32
    %dma_wait3A_78 = tpu.memref_slice %arg7[%dma_wait3A_76, %dma_wait3A_77] : memref<2x4096xi32, #tpu.memory_space<vmem>> -> memref<1x4096xi32, #tpu.memory_space<vmem>>
    %dma_wait3A_79 = tpu.memref_squeeze %dma_wait3A_78 : memref<1x4096xi32, #tpu.memory_space<vmem>> -> memref<4096xi32, #tpu.memory_space<vmem>>
    %dma_wait3A_80 = tpu.memref_slice %arg3[%add3A_37] : memref<1048576xi32, #tpu.memory_space<hbm>> -> memref<4096xi32, #tpu.memory_space<hbm>>
    %dma_wait3A_81 = arith.constant 0 : i32
    %dma_wait3A_82 = tpu.memref_slice %arg7[%dma_wait3A_76, %dma_wait3A_81] : memref<2x4096xi32, #tpu.memory_space<vmem>> -> memref<1x4096xi32, #tpu.memory_space<vmem>>
    %dma_wait3A_83 = tpu.memref_squeeze %dma_wait3A_82 : memref<1x4096xi32, #tpu.memory_space<vmem>> -> memref<4096xi32, #tpu.memory_space<vmem>>
    %dma_wait3A_84 = tpu.memref_slice %arg3[%add3A_37] : memref<1048576xi32, #tpu.memory_space<hbm>> -> memref<4096xi32, #tpu.memory_space<hbm>>
    tpu.wait_dma2 semaphore(%arg13 : memref<!tpu.dma_semaphore, #tpu.memory_space<semaphore_mem>>) src(%dma_wait3A_84 : memref<4096xi32, #tpu.memory_space<hbm>>) dst(%dma_wait3A_83 : memref<4096xi32, #tpu.memory_space<vmem>>)
    %parallel_loop3A_85 = arith.constant 0 : i32
    %parallel_loop3A_86 = arith.constant 4096 : i32
    %parallel_loop3A_87 = arith.constant 32 : i32
    %parallel_loop3A_88:2 = scf.for %parallel_loop3A_91 = %parallel_loop3A_85 to %parallel_loop3A_86 step %parallel_loop3A_87 iter_args(%parallel_loop3A_92 = %parallel_loop3A_66#0, %parallel_loop3A_93 = %parallel_loop3A_66#1) -> (vector<16xf32>, vector<16xf32>)  : i32 {
      %parallel_loop3A_94 = arith.constant 1 : i32
      %parallel_loop3A_95 = arith.index_cast %parallel_loop3A_94 : i32 to index
      %parallel_loop3A_96 = arith.index_cast %parallel_loop3A_91 : i32 to index
      %parallel_loop3A_97 = tpu.vector_load %arg6[%parallel_loop3A_95, %parallel_loop3A_96] {strides = array<i32>} : memref<2x4096xf32, #tpu.memory_space<vmem>>, vector<16xf32>,
      %parallel_loop3A_98 = arith.constant 1 : i32
      %parallel_loop3A_99 = arith.index_cast %parallel_loop3A_98 : i32 to index
      %parallel_loop3A_100 = arith.index_cast %parallel_loop3A_91 : i32 to index
      %parallel_loop3A_101 = tpu.vector_load %arg7[%parallel_loop3A_99, %parallel_loop3A_100] {strides = array<i32>} : memref<2x4096xi32, #tpu.memory_space<vmem>>, vector<16xi32>,
      %parallel_loop3A_102 = arith.constant 16 : i32
      %parallel_loop3A_103 = arith.addi %parallel_loop3A_91, %parallel_loop3A_102 : i32
      %parallel_loop3A_104 = arith.constant 1 : i32
      %parallel_loop3A_105 = arith.index_cast %parallel_loop3A_104 : i32 to index
      %parallel_loop3A_106 = arith.index_cast %parallel_loop3A_103 : i32 to index
      %parallel_loop3A_107 = tpu.vector_load %arg6[%parallel_loop3A_105, %parallel_loop3A_106] {strides = array<i32>} : memref<2x4096xf32, #tpu.memory_space<vmem>>, vector<16xf32>,
      %parallel_loop3A_108 = arith.constant 16 : i32
      %parallel_loop3A_109 = arith.addi %parallel_loop3A_91, %parallel_loop3A_108 : i32
      %parallel_loop3A_110 = arith.constant 1 : i32
      %parallel_loop3A_111 = arith.index_cast %parallel_loop3A_110 : i32 to index
      %parallel_loop3A_112 = arith.index_cast %parallel_loop3A_109 : i32 to index
      %parallel_loop3A_113 = tpu.vector_load %arg7[%parallel_loop3A_111, %parallel_loop3A_112] {strides = array<i32>} : memref<2x4096xi32, #tpu.memory_space<vmem>>, vector<16xi32>,
      %parallel_loop3A_114 = tpu.vector_load_idx %arg8[%parallel_loop3A_101] : memref<100xf32, #tpu.memory_space<vmem>>[vector<16xi32>], vector<16xf32>,
      %parallel_loop3A_115 = arith.subf %parallel_loop3A_114, %parallel_loop3A_97 : vector<16xf32>
      %parallel_loop3A_116 = tpu.vector_load_idx %arg8[%parallel_loop3A_113] : memref<100xf32, #tpu.memory_space<vmem>>[vector<16xi32>], vector<16xf32>,
      %parallel_loop3A_117 = arith.subf %parallel_loop3A_116, %parallel_loop3A_107 : vector<16xf32>
      %parallel_loop3A_118 = arith.constant 0.899999976 : f32
      %parallel_loop3A_119 = vector.broadcast %parallel_loop3A_118 : f32 to vector<16xf32>
      %parallel_loop3A_120 = arith.mulf %parallel_loop3A_119, %parallel_loop3A_115 : vector<16xf32>
      %parallel_loop3A_121 = arith.constant -1.000000e-01 : f32
      %parallel_loop3A_122 = vector.broadcast %parallel_loop3A_121 : f32 to vector<16xf32>
      %parallel_loop3A_123 = arith.mulf %parallel_loop3A_122, %parallel_loop3A_115 : vector<16xf32>
      %parallel_loop3A_124 = arith.maximumf %parallel_loop3A_120, %parallel_loop3A_123 : vector<16xf32>
      %parallel_loop3A_125 = arith.addf %parallel_loop3A_92, %parallel_loop3A_124 : vector<16xf32>
      %parallel_loop3A_126 = arith.constant 0.899999976 : f32
      %parallel_loop3A_127 = vector.broadcast %parallel_loop3A_126 : f32 to vector<16xf32>
      %parallel_loop3A_128 = arith.mulf %parallel_loop3A_127, %parallel_loop3A_117 : vector<16xf32>
      %parallel_loop3A_129 = arith.constant -1.000000e-01 : f32
      %parallel_loop3A_130 = vector.broadcast %parallel_loop3A_129 : f32 to vector<16xf32>
      %parallel_loop3A_131 = arith.mulf %parallel_loop3A_130, %parallel_loop3A_117 : vector<16xf32>
      %parallel_loop3A_132 = arith.maximumf %parallel_loop3A_128, %parallel_loop3A_131 : vector<16xf32>
      %parallel_loop3A_133 = arith.addf %parallel_loop3A_93, %parallel_loop3A_132 : vector<16xf32>
      scf.yield %parallel_loop3A_125, %parallel_loop3A_133 : vector<16xf32>, vector<16xf32>
    } {sc.loop_unroll_factor = 8 : i64, sc.parallel_access}
    %add3A_89 = arith.addf %parallel_loop3A_88#0, %parallel_loop3A_88#1 : vector<16xf32>
    %swap3A = arith.constant 0 : index
    %swap3A_90 = tpu.vector_load %arg9[%swap3A] {strides = array<i32>} : memref<16xf32, #tpu.memory_space<vmem>>, vector<16xf32>,
    tpu.vector_store %arg9[%swap3A], %add3A_89 {strides = array<i32>} : memref<16xf32, #tpu.memory_space<vmem>>, vector<16xf32>,
    "tpu.region"() ({
      %run_scoped3A = tpu.sem_alloc : memref<!tpu.dma_semaphore, #tpu.memory_space<semaphore_mem>>
      %dma_start3A_91 = arith.constant 0 : i32
      %dma_start3A_92 = tpu.memref_slice %arg5[%add3A, %dma_start3A_91] : memref<32x16xf32, #tpu.memory_space<hbm>> -> memref<1x16xf32, #tpu.memory_space<hbm>>
      %dma_start3A_93 = tpu.memref_squeeze %dma_start3A_92 : memref<1x16xf32, #tpu.memory_space<hbm>> -> memref<16xf32, #tpu.memory_space<hbm>>
      %dma_start3A_94 = arith.constant 0 : i32
      %dma_start3A_95 = tpu.memref_slice %arg5[%add3A, %dma_start3A_94] : memref<32x16xf32, #tpu.memory_space<hbm>> -> memref<1x16xf32, #tpu.memory_space<hbm>>
      %dma_start3A_96 = tpu.memref_squeeze %dma_start3A_95 : memref<1x16xf32, #tpu.memory_space<hbm>> -> memref<16xf32, #tpu.memory_space<hbm>>
      tpu.enqueue_dma source(%arg9 : memref<16xf32, #tpu.memory_space<vmem>>) target(%dma_start3A_96 : memref<16xf32, #tpu.memory_space<hbm>>) target_semaphore(%run_scoped3A : memref<!tpu.dma_semaphore, #tpu.memory_space<semaphore_mem>>)
      %dma_wait3A_97 = arith.constant 0 : i32
      %dma_wait3A_98 = tpu.memref_slice %arg5[%add3A, %dma_wait3A_97] : memref<32x16xf32, #tpu.memory_space<hbm>> -> memref<1x16xf32, #tpu.memory_space<hbm>>
      %dma_wait3A_99 = tpu.memref_squeeze %dma_wait3A_98 : memref<1x16xf32, #tpu.memory_space<hbm>> -> memref<16xf32, #tpu.memory_space<hbm>>
      %dma_wait3A_100 = arith.constant 0 : i32
      %dma_wait3A_101 = tpu.memref_slice %arg5[%add3A, %dma_wait3A_100] : memref<32x16xf32, #tpu.memory_space<hbm>> -> memref<1x16xf32, #tpu.memory_space<hbm>>
      %dma_wait3A_102 = tpu.memref_squeeze %dma_wait3A_101 : memref<1x16xf32, #tpu.memory_space<hbm>> -> memref<16xf32, #tpu.memory_space<hbm>>
      tpu.wait_dma2 semaphore(%run_scoped3A : memref<!tpu.dma_semaphore, #tpu.memory_space<semaphore_mem>>) src(%arg9 : memref<16xf32, #tpu.memory_space<vmem>>) dst(%dma_wait3A_102 : memref<16xf32, #tpu.memory_space<hbm>>)
      tpu.yield
    }) : () -> ()
    return
  }
}

module attributes {stable_mosaic.version = 14 : i64} {
  func.func @_pinball_tc_body(%arg0: i32, %arg1: memref<1024x128xf32, #tpu.memory_space<vmem>>, %arg2: memref<1024x128xf32, #tpu.memory_space<vmem>>, %arg3: memref<1024x128xi32, #tpu.memory_space<vmem>>, %arg4: memref<1024x128xi32, #tpu.memory_space<vmem>>, %arg5: memref<100xf32, #tpu.memory_space<vmem>>, %arg6: memref<1x1xf32, #tpu.memory_space<smem>>, %arg7: memref<8x128xf32, #tpu.memory_space<vmem>>, %arg8: memref<1024x128xf32, #tpu.memory_space<vmem>>) attributes {dimension_semantics = [#tpu.dimension_semantics<arbitrary>], iteration_bounds = array<i64: 3>, scalar_prefetch = 0 : i64, scratch_operands = 2 : i64, tpu.core_type = #tpu.core_type<tc>, window_params = [{transform_indices = @transform_0, window_bounds = array<i64: 1024, 128>}, {transform_indices = @transform_1, window_bounds = array<i64: 1024, 128>}, {transform_indices = @transform_2, window_bounds = array<i64: 1024, 128>}, {transform_indices = @transform_3, window_bounds = array<i64: 1024, 128>}, {pipeline_mode = #tpu.pipeline_mode<synchronous>, transform_indices = @transform_4, window_bounds = array<i64: 100>}, {transform_indices = @transform_5, window_bounds = array<i64: 1, 1>}]} {
    %eq3A = arith.constant 0 : i32
    %eq3A_0 = arith.cmpi eq, %arg0, %eq3A : i32
    %convert_element_type3A = arith.extui %eq3A_0 : i1 to i32
    %cond3A = arith.constant 0 : i32
    %cond3A_1 = arith.cmpi ne, %convert_element_type3A, %cond3A : i32
    scf.if %cond3A_1 {
      %get3A_55 = arith.constant 0 : index
      %get3A_56 = vector.load %arg5[%get3A_55] : memref<100xf32, #tpu.memory_space<vmem>>, vector<100xf32>
      %broadcast_in_dim3A = arith.constant 0.000000e+00 : f32
      %broadcast_in_dim3A_57 = vector.broadcast %broadcast_in_dim3A : f32 to vector<28xf32>
      %concatenate3A = tpu.concatenate %get3A_56, %broadcast_in_dim3A_57 in 0 : vector<100xf32>, vector<28xf32> -> vector<128xf32>
      %reshape3A_58 = vector.shape_cast %concatenate3A : vector<128xf32> to vector<1x128xf32>
      %broadcast_in_dim3A_59 = vector.shape_cast %reshape3A_58 : vector<1x128xf32> to vector<1x128xf32>
      %broadcast_in_dim3A_60 = vector.broadcast %broadcast_in_dim3A_59 : vector<1x128xf32> to vector<1024x128xf32>
      %swap3A = arith.constant 0 : index
      %swap3A_61 = arith.constant 0 : index
      %swap3A_62 = vector.load %arg8[%swap3A, %swap3A_61] : memref<1024x128xf32, #tpu.memory_space<vmem>>, vector<1024x128xf32>
      tpu.vector_store %arg8[%swap3A, %swap3A_61], %broadcast_in_dim3A_60 {strides = array<i32>} : memref<1024x128xf32, #tpu.memory_space<vmem>>, vector<1024x128xf32>,
    } else {
    }
    %get3A = arith.constant 0 : index
    %get3A_2 = arith.constant 0 : index
    %get3A_3 = vector.load %arg8[%get3A, %get3A_2] : memref<1024x128xf32, #tpu.memory_space<vmem>>, vector<1024x128xf32>
    %get3A_4 = arith.constant 0 : index
    %get3A_5 = arith.constant 0 : index
    %get3A_6 = vector.load %arg3[%get3A_4, %get3A_5] : memref<1024x128xi32, #tpu.memory_space<vmem>>, vector<1024x128xi32>
    %reshape3A = vector.shape_cast %get3A_6 : vector<1024x128xi32> to vector<1024x128x1xi32>
    %gather3A = vector.shape_cast %reshape3A : vector<1024x128x1xi32> to vector<1024x128xi32>
    %gather3A_7 = tpu.dynamic_gather %get3A_3[%gather3A] in [1] : vector<1024x128xf32>, vector<1024x128xi32> -> vector<1024x128xf32>
    %get3A_8 = arith.constant 0 : index
    %get3A_9 = arith.constant 0 : index
    %get3A_10 = vector.load %arg1[%get3A_8, %get3A_9] : memref<1024x128xf32, #tpu.memory_space<vmem>>, vector<1024x128xf32>
    %sub3A = arith.subf %gather3A_7, %get3A_10 : vector<1024x128xf32>
    %mul3A = arith.constant 0.899999976 : f32
    %mul3A_11 = vector.broadcast %mul3A : f32 to vector<1024x128xf32>
    %mul3A_12 = arith.mulf %mul3A_11, %sub3A : vector<1024x128xf32>
    %mul3A_13 = arith.constant -1.000000e-01 : f32
    %mul3A_14 = vector.broadcast %mul3A_13 : f32 to vector<1024x128xf32>
    %mul3A_15 = arith.mulf %mul3A_14, %sub3A : vector<1024x128xf32>
    %max3A = arith.maximumf %mul3A_12, %mul3A_15 : vector<1024x128xf32>
    %reshape3A_16 = vector.shape_cast %max3A : vector<1024x128xf32> to vector<128x8x128xf32>
    %reduce_sum3A = arith.constant dense<0.000000e+00> : vector<8x128xf32>
    %reduce_sum3A_17 = vector.multi_reduction <add>, %reshape3A_16, %reduce_sum3A [0] : vector<128x8x128xf32> to vector<8x128xf32>
    %get3A_18 = arith.constant 0 : index
    %get3A_19 = arith.constant 0 : index
    %get3A_20 = vector.load %arg8[%get3A_18, %get3A_19] : memref<1024x128xf32, #tpu.memory_space<vmem>>, vector<1024x128xf32>
    %get3A_21 = arith.constant 0 : index
    %get3A_22 = arith.constant 0 : index
    %get3A_23 = vector.load %arg4[%get3A_21, %get3A_22] : memref<1024x128xi32, #tpu.memory_space<vmem>>, vector<1024x128xi32>
    %reshape3A_24 = vector.shape_cast %get3A_23 : vector<1024x128xi32> to vector<1024x128x1xi32>
    %gather3A_25 = vector.shape_cast %reshape3A_24 : vector<1024x128x1xi32> to vector<1024x128xi32>
    %gather3A_26 = tpu.dynamic_gather %get3A_20[%gather3A_25] in [1] : vector<1024x128xf32>, vector<1024x128xi32> -> vector<1024x128xf32>
    %get3A_27 = arith.constant 0 : index
    %get3A_28 = arith.constant 0 : index
    %get3A_29 = vector.load %arg2[%get3A_27, %get3A_28] : memref<1024x128xf32, #tpu.memory_space<vmem>>, vector<1024x128xf32>
    %sub3A_30 = arith.subf %gather3A_26, %get3A_29 : vector<1024x128xf32>
    %mul3A_31 = arith.constant 0.899999976 : f32
    %mul3A_32 = vector.broadcast %mul3A_31 : f32 to vector<1024x128xf32>
    %mul3A_33 = arith.mulf %mul3A_32, %sub3A_30 : vector<1024x128xf32>
    %mul3A_34 = arith.constant -1.000000e-01 : f32
    %mul3A_35 = vector.broadcast %mul3A_34 : f32 to vector<1024x128xf32>
    %mul3A_36 = arith.mulf %mul3A_35, %sub3A_30 : vector<1024x128xf32>
    %max3A_37 = arith.maximumf %mul3A_33, %mul3A_36 : vector<1024x128xf32>
    %reshape3A_38 = vector.shape_cast %max3A_37 : vector<1024x128xf32> to vector<128x8x128xf32>
    %reduce_sum3A_39 = arith.constant dense<0.000000e+00> : vector<8x128xf32>
    %reduce_sum3A_40 = vector.multi_reduction <add>, %reshape3A_38, %reduce_sum3A_39 [0] : vector<128x8x128xf32> to vector<8x128xf32>
    %add3A = arith.addf %reduce_sum3A_17, %reduce_sum3A_40 : vector<8x128xf32>
    %eq3A_41 = arith.constant 0 : i32
    %eq3A_42 = arith.cmpi eq, %arg0, %eq3A_41 : i32
    %convert_element_type3A_43 = arith.extui %eq3A_42 : i1 to i32
    %cond3A_44 = arith.constant 0 : i32
    %cond3A_45 = arith.cmpi ne, %convert_element_type3A_43, %cond3A_44 : i32
    scf.if %cond3A_45 {
      %swap3A = arith.constant 0 : index
      %swap3A_55 = arith.constant 0 : index
      %swap3A_56 = vector.load %arg7[%swap3A, %swap3A_55] : memref<8x128xf32, #tpu.memory_space<vmem>>, vector<8x128xf32>
      tpu.vector_store %arg7[%swap3A, %swap3A_55], %add3A {strides = array<i32>} : memref<8x128xf32, #tpu.memory_space<vmem>>, vector<8x128xf32>,
    } else {
    }
    %gt3A = arith.constant 0 : i32
    %gt3A_46 = arith.cmpi sgt, %arg0, %gt3A : i32
    %convert_element_type3A_47 = arith.extui %gt3A_46 : i1 to i32
    %cond3A_48 = arith.constant 0 : i32
    %cond3A_49 = arith.cmpi ne, %convert_element_type3A_47, %cond3A_48 : i32
    scf.if %cond3A_49 {
      %get3A_55 = arith.constant 0 : index
      %get3A_56 = arith.constant 0 : index
      %get3A_57 = vector.load %arg7[%get3A_55, %get3A_56] : memref<8x128xf32, #tpu.memory_space<vmem>>, vector<8x128xf32>
      %add3A_58 = arith.addf %get3A_57, %add3A : vector<8x128xf32>
      %swap3A = arith.constant 0 : index
      %swap3A_59 = arith.constant 0 : index
      %swap3A_60 = vector.load %arg7[%swap3A, %swap3A_59] : memref<8x128xf32, #tpu.memory_space<vmem>>, vector<8x128xf32>
      tpu.vector_store %arg7[%swap3A, %swap3A_59], %add3A_58 {strides = array<i32>} : memref<8x128xf32, #tpu.memory_space<vmem>>, vector<8x128xf32>,
    } else {
    }
    %eq3A_50 = arith.constant 2 : i32
    %eq3A_51 = arith.cmpi eq, %arg0, %eq3A_50 : i32
    %convert_element_type3A_52 = arith.extui %eq3A_51 : i1 to i32
    %cond3A_53 = arith.constant 0 : i32
    %cond3A_54 = arith.cmpi ne, %convert_element_type3A_52, %cond3A_53 : i32
    scf.if %cond3A_54 {
      %get3A_55 = arith.constant 0 : index
      %get3A_56 = arith.constant 0 : index
      %get3A_57 = vector.load %arg7[%get3A_55, %get3A_56] : memref<8x128xf32, #tpu.memory_space<vmem>>, vector<8x128xf32>
      %reduce_sum3A_58 = vector.shape_cast %get3A_57 : vector<8x128xf32> to vector<1x8x128xf32>
      %reduce_sum3A_59 = arith.constant dense<0.000000e+00> : vector<1xf32>
      %reduce_sum3A_60 = vector.multi_reduction <add>, %reduce_sum3A_58, %reduce_sum3A_59 [1, 2] : vector<1x8x128xf32> to vector<1xf32>
      %reduce_sum3A_61 = vector.shape_cast %reduce_sum3A_60 : vector<1xf32> to vector<1x1x1xf32>
      %reduce_sum3A_62 = vector.extract %reduce_sum3A_61[0, 0, 0] : f32 from vector<1x1x1xf32>
      %swap3A = arith.constant 0 : index
      %swap3A_63 = arith.constant 0 : index
      %swap3A_64 = memref.load %arg6[%swap3A, %swap3A_63] : memref<1x1xf32, #tpu.memory_space<smem>>
      memref.store %reduce_sum3A_62, %arg6[%swap3A, %swap3A_63] : memref<1x1xf32, #tpu.memory_space<smem>>
    } else {
    }
    return
  }
  func.func @transform_0(%arg0: i32) -> (i32, i32) {
    %add3A = arith.constant 2 : i32
    %add3A_0 = arith.addi %arg0, %add3A : i32
    %c0_i32 = arith.constant 0 : i32
    %c0_i32_1 = arith.constant 0 : i32
    return %add3A_0, %c0_i32 : i32, i32
  }
  func.func @transform_1(%arg0: i32) -> (i32, i32) {
    %add3A = arith.constant 2 : i32
    %add3A_0 = arith.addi %arg0, %add3A : i32
    %add3A_1 = arith.constant 3 : i32
    %add3A_2 = arith.addi %add3A_0, %add3A_1 : i32
    %c0_i32 = arith.constant 0 : i32
    %c0_i32_3 = arith.constant 0 : i32
    return %add3A_2, %c0_i32 : i32, i32
  }
  func.func @transform_2(%arg0: i32) -> (i32, i32) {
    %add3A = arith.constant 2 : i32
    %add3A_0 = arith.addi %arg0, %add3A : i32
    %c0_i32 = arith.constant 0 : i32
    %c0_i32_1 = arith.constant 0 : i32
    return %add3A_0, %c0_i32 : i32, i32
  }
  func.func @transform_3(%arg0: i32) -> (i32, i32) {
    %add3A = arith.constant 2 : i32
    %add3A_0 = arith.addi %arg0, %add3A : i32
    %add3A_1 = arith.constant 3 : i32
    %add3A_2 = arith.addi %add3A_0, %add3A_1 : i32
    %c0_i32 = arith.constant 0 : i32
    %c0_i32_3 = arith.constant 0 : i32
    return %add3A_2, %c0_i32 : i32, i32
  }
  func.func @transform_4(%arg0: i32) -> i32 {
    %c0_i32 = arith.constant 0 : i32
    %c0_i32_0 = arith.constant 0 : i32
    return %c0_i32 : i32
  }
  func.func @transform_5(%arg0: i32) -> (i32, i32) {
    %c0_i32 = arith.constant 0 : i32
    %c0_i32_0 = arith.constant 0 : i32
    %c0_i32_1 = arith.constant 0 : i32
    return %c0_i32, %c0_i32_0 : i32, i32
  }
}

</mosaic_0001>

<sc_bundles>
// kernel: kernel.4.cloned.1.call-start
scs
__scs_entry_jumppad:
0x0: {  	(pc) =	sbr.rel $0x88, $3  }
0x1: {  	(tag) =	ssettag $0x0;
	lr =	simm.s32 $0x1  }
0x2: {  	[smem:$0x3F9E] =	sst lr;
	_ =	strace $0xD0000000  }
0x3: {  	_ = 	snop  }
0x4: {  	_ = 	snop  }
0x5: {  	_ = 	snop  }
0x6: {  	_ = 	snop  }
0x7: {  	_ = 	snop  }
__scs_overlays_trampoline_lowered:
0x8: {  	[smem:$0x3FAD] =	sst s0  }
0x9: {  	[smem:$0x3FAE] =	sst s1  }
0xa: {  	[smem:$0x3FAF] =	sst s2  }
0xb: {  	[smem:$0x3FB0] =	sst s3  }
0xc: {  	[smem:$0x3FB1] =	sst s4  }
0xd: {  	[smem:$0x3FB2] =	sst s5  }
0xe: {  	[smem:$0x3FB3] =	sst s6  }
0xf: {  	[smem:$0x3FB4] =	sst s7  }
0x10: {  	[smem:$0x3FB5] =	sst s8  }
0x11: {  	[smem:$0x3FB6] =	sst s9;
	s0 =	simm.s32 @!p0 $0x0  }
0x12: {  	s1 =	sld [smem:$0x3F9C];
	s0 =	simm.s32 @p0 $0x1  }
0x13: {  	[smem:$0x3FB7] =	sst s0;
	s0 =	simm.s32 @!p1 $0x0  }
0x14: {  	s2 =	sld [smem:$0x3F9B];
	s0 =	simm.s32 @p1 $0x1  }
0x15: {  	[smem:$0x3FB8] =	sst s0;
	s0 =	simm.s32 @!p2 $0x0  }
0x16: {  	s3 =	sld [smem:$0x3FDB];
	s0 =	simm.s32 @p2 $0x1  }
0x17: {  	s4 =	simm.s32 $0x1BF5;
	[smem:$0x3FBA] =	sst s0  }
0x18: {  	s0 =	sld [smem:$0x3F9D];
	_ =	swait.ge [sflag:s4], $0x0  }
0x19: {  	s7 =	sld [smem:$0x3F9E]  }
0x1a: {  	s8 =	sadd.s32 $0xFFFFE003, lr  }
0x1b: {  	s9 =	sadd.s32 $0xFFFFFEF7, lr;
	s5 =	simm.s32 $0xFFFFFFFF;
	p2 =	slt.u32 s8, $0xFFFFF086  }
0x1c: {  	p1 =	slt.u32 s9, $0xF7A;
	s5 =	simm.s32 @!p2 $0x0  }
0x1d: {  	s5 =	simm.s32 @p1 $0x1;
	p0 =	seq.s32 s7, s2  }
0x1e: {  	s7 =	smul.u32 @!p0 $0xF7A, s2;
	p2 =	seq.s32 @!p0 s5, $0x0  }
0x1f: {  	s9 =	smul.u32 $0xF7A, s1;
	s8 =	simm.s32 @!p0 $0x1BF5;
	p2 =	por !p2, p0  }
0x20: {  	[sflag:s8] =	ssyncset.s32 @!p0 $0xFFFFF086;
	s6 =	sadd.s32 @!p0 s3, s7;
	s7 =	simm.s32 @!p0 $0x108  }
0x21: {  	s3 =	sadd.s32 s3, s9;
	s6 =	sadd.s32 @!p0 $0x88, s6;
	s7 =	simm.s32 @p2 $0x1082  }
0x22: {  	[simem:s7], [sflag:s8] =	dma.local @!p0 [hbm:s6], $0xF7A  }
0x23: {  	s9 =	sor.u32 $0xD0000000, s2;
	s6 =	simm.s32 $0x108;
	_ =	swait.ge @!p0 [sflag:s8], $0x0  }
0x24: {  	s3 =	sadd.s32 $0x88, s3;
	s6 =	simm.s32 @!p1 $0x1082;
	[sflag:s4] =	ssyncset.s32 $0xFFFFF086  }
0x25: {  	[simem:s6], [sflag:s4] =	dma.local [hbm:s3], $0xF7A  }
0x26: {  	[smem:$0x3F9E] =	sst s1;
	(tag) =	ssettag s2;
	_ =	strace s9  }
0x27: {  	s1 =	sld [smem:$0x3FAE]  }
0x28: {  	s2 =	sld [smem:$0x3FAF]  }
0x29: {  	s4 =	sld [smem:$0x3FB1]  }
0x2a: {  	p0 =	seq.s32 s5, $0x0;
	s5 =	sld [smem:$0x3FB2]  }
0x2b: {  	s6 =	sld [smem:$0x3FB3]  }
0x2c: {  	s7 =	sld [smem:$0x3FB4]  }
0x2d: {  	s3 =	simm.s32 $0x108;
	s8 =	sld [smem:$0x3FB5]  }
0x2e: {  	s3 =	simm.s32 @!p0 $0x1082;
	s9 =	sld [smem:$0x3FB6]  }
0x2f: {  	lr =	sadd.s32 s0, s3;
	s0 =	sld [smem:$0x3FAD]  }
0x30: {  	s3 =	sld [smem:$0x3FB0]  }
0x31: {  	[smem:$0x3FB9] =	sst s10  }
0x32: {  	s10 =	sld [smem:$0x3FB7];
	_ =	sdelay $0x3  }
0x33: {  	p0 =	seq.s32 s10, $0x1;
	s10 =	sld [smem:$0x3FB9];
	_ =	sdelay $0x3  }
0x34: {  	[smem:$0x3FB9] =	sst s10  }
0x35: {  	s10 =	sld [smem:$0x3FB8];
	_ =	sdelay $0x3  }
0x36: {  	p1 =	seq.s32 s10, $0x1;
	s10 =	sld [smem:$0x3FB9];
	_ =	sdelay $0x3  }
0x37: {  	[smem:$0x3FB9] =	sst s10  }
0x38: {  	s10 =	sld [smem:$0x3FBA]  }
0x39: {  	_ = 	snop;
	(pc) =	sbr.ind lr, $3  }
0x3a: {  	_ = 	snop  }
0x3b: {  	_ = 	snop  }
0x3c: {  	p2 =	seq.s32 s10, $0x1;
	s10 =	sld [smem:$0x3FB9]  }
0x3d: {  	_ =	shalt  }
0x3e: {  	_ =	shalt  }
0x3f: {  	_ =	shalt  }
0x40: {  	_ =	shalt  }
0x41: {  	_ =	shalt  }
0x42: {  	_ =	shalt  }
0x43: {  	_ =	shalt  }
0x44: {  	_ =	shalt  }
0x45: {  	_ =	shalt  }
0x46: {  	_ =	shalt  }
0x47: {  	_ =	shalt  }
0x48: {  	_ =	shalt  }
0x49: {  	_ =	shalt  }
0x4a: {  	_ =	shalt  }
0x4b: {  	_ =	shalt  }
0x4c: {  	_ =	shalt  }
0x4d: {  	_ =	shalt  }
0x4e: {  	_ =	shalt  }
0x4f: {  	_ =	shalt  }
0x50: {  	_ =	shalt  }
0x51: {  	_ =	shalt  }
0x52: {  	_ =	shalt  }
0x53: {  	_ =	shalt  }
0x54: {  	_ =	shalt  }
0x55: {  	_ =	shalt  }
0x56: {  	_ =	shalt  }
0x57: {  	_ =	shalt  }
0x58: {  	_ =	shalt  }
0x59: {  	_ =	shalt  }
0x5a: {  	_ =	shalt  }
0x5b: {  	_ =	shalt  }
0x5c: {  	_ =	shalt  }
0x5d: {  	_ =	shalt  }
0x5e: {  	_ =	shalt  }
0x5f: {  	_ =	shalt  }
0x60: {  	_ =	shalt  }
0x61: {  	_ =	shalt  }
0x62: {  	_ =	shalt  }
0x63: {  	_ =	shalt  }
0x64: {  	_ =	shalt  }
0x65: {  	_ =	shalt  }
0x66: {  	_ =	shalt  }
0x67: {  	_ =	shalt  }
0x68: {  	_ =	shalt  }
0x69: {  	_ =	shalt  }
0x6a: {  	_ =	shalt  }
0x6b: {  	_ =	shalt  }
0x6c: {  	_ =	shalt  }
0x6d: {  	_ =	shalt  }
0x6e: {  	_ =	shalt  }
0x6f: {  	_ =	shalt  }
0x70: {  	_ =	shalt  }
0x71: {  	_ =	shalt  }
0x72: {  	_ =	shalt  }
0x73: {  	_ =	shalt  }
0x74: {  	_ =	shalt  }
0x75: {  	_ =	shalt  }
0x76: {  	_ =	shalt  }
0x77: {  	_ =	shalt  }
0x78: {  	_ =	shalt  }
0x79: {  	_ =	shalt  }
0x7a: {  	_ =	shalt  }
0x7b: {  	_ =	shalt  }
0x7c: {  	_ =	shalt  }
0x7d: {  	_ =	shalt  }
0x7e: {  	_ =	shalt  }
0x7f: {  	_ =	shalt  }
0x80: {  	_ =	shalt  }
0x81: {  	_ =	shalt  }
0x82: {  	_ =	shalt  }
0x83: {  	_ =	shalt  }
0x84: {  	_ =	shalt  }
0x85: {  	_ =	shalt  }
0x86: {  	_ =	shalt  }
0x87: {  	_ =	shalt  }
.Lfunc_end0:
.L_simem_size_0:
called_computation_lowered:
.L_overlay_start_0:
0x88: {  	s2 =	sld [smem:$0x3FD9]  }
0x89: {  	s3 =	sld [smem:$0x3FFE];
	_ =	sdelay $0x1  }
0x8a: {  	s1 =	srdreg.scid  }
0x8b: {  	s0 =	sand.u32 $0x1, s1  }
0x8c: {  	s17 =	sshll.u32 s0, $0xA;
	s2 =	sadd.s32 s3, s2  }
0x8d: {  	s2 =	sadd.s32 s2, s17  }
0x8e: {  	[smem:$0x3FC5] =	sst s2  }
0x8f: {  	_ = 	snop  }
0x90: {  	s2 =	sld [smem:$0x3FC9]  }
0x91: {  	s18 =	sld [smem:$0x3FC8]  }
0x92: {  	s4 =	sld [smem:$0x3FC7];
	(tm) =	ssettm $0x1  }
0x93: {  	s5 =	sld [smem:$0x3FFB];
	_ =	sdelay $0x3  }
0x94: {  	_ =	strace s5  }
0x95: {  	s5 =	sld [smem:$0x3FFC];
	_ =	sdelay $0x3  }
0x96: {  	_ =	strace s5  }
0x97: {  	s5 =	sld [smem:$0x3FFD];
	_ =	sdelay $0x3  }
0x98: {  	_ =	strace s5  }
0x99: {  	_ =	strace $0x8FFFFFFF  }
0x9a: {  	s19 =	sld [smem:$0x3FDB];
	_ =	sdelay $0x1  }
0x9b: {  	s6 =	simm.s32 $_scs_section_size  }
0x9c: {  	s7 =	simm.s32 $_size__tile_overlayer_lowered;
	s8 =	simm.s32 $_tile_overlayer_lowered  }
0x9d: {  	s22 =	simm.s32 $0x1BFF;
	s21 =	sshll.u32 s8, $0x1;
	s5 =	sadd.s32 s6, s19  }
0x9e: {  	s9 =	simm.s32 $0x0;
	s20 =	sshll.u32 s7, $0x1;
	s7 =	sadd.s32 s21, s5  }
0x9f: {  	[timem:s9], [sflag:s22] =	dma.local [hbm:s7], s20  }
0xa0: {  	_ =	swait.ge [sflag:s22], s20  }
0xa1: {  	s6 =	ssub.s32 $0x0, s20;
	[sflag:s22] =	ssyncset.done $0x0  }
0xa2: {  	[sflag:s22] =	ssyncadd.s32 s6;
	_ =	sdelay $0x1  }
0xa3: {  	s23 =	simm.s32 $0x1B8B  }
0xa4: {  	_ =	swait.ge [sflag:s23], $0x1  }
0xa5: {  	[sflag:s23] =	ssyncset.done $0x0  }
0xa6: {  	s25 =	simm.s32 $0x1B8E;
	s24 =	sld [smem:$0x3FFE];
	[sflag:s23] =	ssyncadd.s32 $0xFFFFFFFF  }
0xa7: {  	s26 =	simm.s32 $execute0_lowered;
	[smem:$0x3FD2] =	sst s25  }
0xa8: {  	s7 =	sshll.u32 s26, $0x1;
	_ =	strace $0x80000046;
	[dreg:$0x1] =	wrdreg $0xFFFFFFFF  }
0xa9: {  	s28 =	simm.s32 $_size_execute0_lowered;
	s5 =	sadd.s32 s5, s7;
	[dreg:$0x0] =	wrdreg $0x0  }
0xaa: {  	s7 =	sshll.u32 s28, $0x1;
	[dreg:$0x2] =	wrdreg s5  }
0xab: {  	[dreg:$0x3] =	wrdreg s7  }
0xac: {  	[dreg:$0x4] =	wrdreg $0xC0  }
0xad: {  	_ =	task [dreg:s9], $0x5FFFF  }
0xae: {  	[dreg:$0x1] =	wrdreg $0xFFFFFFFF  }
0xaf: {  	[dreg:$0x0] =	wrdreg $0x60  }
0xb0: {  	[dreg:$0x2] =	wrdreg s2  }
0xb1: {  	[dreg:$0x3] =	wrdreg s18  }
0xb2: {  	[dreg:$0x4] =	wrdreg s4  }
0xb3: {  	[dreg:$0x5] =	wrdreg s24  }
0xb4: {  	[dreg:$0x6] =	wrdreg $0x9  }
0xb5: {  	_ =	task.clear_ibuf [dreg:s9], $0x7FFFF;
	_ =	strace $0x90000046  }
0xb6: {  	s29 =	simm.s32 $0x9;
	_ =	strace $0x80000048  }
0xb7: {  	_ =	swait.ge [sflag:s29], $0x1  }
0xb8: {  	[sflag:s29] =	ssyncadd.s32 $0xFFFFFFFF  }
0xb9: {  	_ =	strace $0x90000048  }
0xba: {  	_ =	sfence  }
0xbb: {  	s30 =	sld [smem:$0x0];
	_ =	sdelay $0x2  }
0xbc: {  	s31 =	sshll.u32 s1, $0xD;
	s1 =	sshrl.u32 s1, $0x2  }
0xbd: {  	s3 =	sand.u32 $0x4000, s31;
	s1 =	sadd.s32 s1, s30  }
0xbe: {  	s0 =	sor.u32 s3, s0;
	s1 =	sshll.u32 s1, $0x11  }
0xbf: {  	s0 =	sor.u32 s1, s0  }
0xc0: {  	s0 =	sadd.s32 $0x8F2B, s0  }
0xc1: {  	[sflag:s0] =	ssyncadd.remote.s32 $0x1  }
0xc2: {  	_ =	sfence.sel $0xFFFF  }
0xc3: {  	[dreg:$0x0] =	wrdreg $0xFFFFFFFF;
	(pc) =	sbr.abs _section_cstart, $3  }
0xc4: {  	[dreg:$0x1] =	wrdreg $0xFFFFFFFF  }
0xc5: {  	_ =	task.clear_ibuf [dreg:s9], $0x2FFFF;
	_ =	strace $0x9FFFFFFF  }
0xc6: {  	(tm) =	ssettm $0x7FFFFFFF  }
0xc7: {  	_ =	shalt  }
tec
execute0_lowered:
.L_overlay_start_1:
0x0: {  	(tag) =	ssettag $0x1  }
0x1: {  	s6 =	rddreg [dreg:$0x0]  }
0x2: {  	s7 =	rddreg [dreg:$0x1]  }
0x3: {  	s1 =	rddreg [dreg:$0x2]  }
0x4: {  	s4 =	rddreg [dreg:$0x3]  }
0x5: {  	s0 =	rddreg [dreg:$0x4]  }
0x6: {  	s3 =	simm.s32 $0x0;
	s5 =	srdreg.scid;
	s2 =	stileid.u32  }
0x7: {  	s12 =	simm.s32 $0x1;
	s13 =	simm.s32 $0x3;
	s14 =	simm.s32 $0x2  }
0x8: {  	s15 =	simm.s32 $0x4;
	s16 =	simm.s32 $0x4080;
	s17 =	simm.s32 $0x6  }
0x9: {  	s18 =	simm.s32 $0x0;
	s5 =	sand.u32 $0x1, s5;
	s8 =	sshll.u32 s2, $0x1  }
0xa: {  	[smem:$0x7FF] =	sst s3;
	s8 =	sor.u32 s5, s8;
	s5 =	ssub.s32 $0x2, s5  }
0xb: {  	_ =	strace $0x80000047;
	s9 =	sshll.u32 s8, $0x4;
	s10 =	sshrl.u32 s5, $0x1  }
0xc: {  	s8 =	sshll.u32 s8, $0xA;
	s9 =	sadd.s32 s9, s4;
	s10 =	ssub.s32 s5, s10  }
0xd: {  	s11 =	sor.u32 $0x200, s8;
	s4 =	sadd.s32 s6, s8;
	s5 =	sadd.s32 s7, s8  }
0xe: {  	s6 =	sadd.s32 s6, s11;
	s7 =	sadd.s32 s7, s11;
	s8 =	sadd.s32 $0x600, s9  }
0xf: {  	s9 =	smax.u32 s10, $0x1;
	s10 =	simm.s32 $0x4000;
	s11 =	simm.s32 $0x5  }
.LBB2_1:
0x10: {  	[tilespmem:s10], [sflag:$0x5] =	stream.linear.gather [hbm4b:s1+s3], $0x80, $0x38;
	[tilespmem:$0x4100] =	vst v63  }
0x11: {  	s19 =	simm.s32 $0x10  }
0x12: {  	s22 =	sadd.s32 $0x0, s4;
	s20 =	simm.s32 $0x100;
	s21 =	simm.s32 $0x0  }
.LBB2_2:
0x13: {  	[tilespmem:s21], [sflag:$0x1] =	stream.linear.gather [hbm4b:s22+s3], $0x80, $0x38;
	[tilespmem:$0x4100] =	vst v63  }
0x14: {  	s22 =	smov.u32 s19;
	s21 =	smov.u32 s20;
	p0 =	sne.s32 s19, $0x1F0  }
.Ltmp0:
0x15: {  	s19 =	sadd.s32 $0x10, s19;
	(pc) =	sbr.rel @p0 .LBB2_2-.Ltmp0, $2  }
0x16: {  	_ =	sdelay $0x2  }
0x17: {  	s20 =	sadd.s32 $0x100, s20;
	s22 =	sadd.s32 s22, s4  }
0x18: {  	[tilespmem:s21], [sflag:$0x1] =	stream.linear.gather [hbm4b:s22+s3], $0x80, $0x38;
	[tilespmem:$0x4100] =	vst v63  }
0x19: {  	s19 =	simm.s32 $0x2000  }
0x1a: {  	s20 =	simm.s32 $0x10;
	s22 =	sadd.s32 $0x0, s5;
	s21 =	simm.s32 $0x2100  }
.LBB2_4:
0x1b: {  	[tilespmem:s19], [sflag:$0x3] =	stream.linear.gather [hbm4b:s22+s3], $0x80, $0x38;
	[tilespmem:$0x4100] =	vst v63  }
0x1c: {  	s22 =	smov.u32 s20;
	s19 =	smov.u32 s21;
	p0 =	sne.s32 s20, $0x1F0  }
.Ltmp1:
0x1d: {  	s20 =	sadd.s32 $0x10, s20;
	(pc) =	sbr.rel @p0 .LBB2_4-.Ltmp1, $2  }
0x1e: {  	_ =	sdelay $0x2  }
0x1f: {  	s21 =	sadd.s32 $0x100, s21;
	s22 =	sadd.s32 s22, s5  }
0x20: {  	[tilespmem:s19], [sflag:$0x3] =	stream.linear.gather [hbm4b:s22+s3], $0x80, $0x38;
	[tilespmem:$0x4100] =	vst v63  }
0x21: {  	_ =	swait.ge [sflag:s11], $0x80  }
0x22: {  	s19 =	simm.s32 $0x80;
	s20 =	simm.s32 $0x10;
	[sflag:s11] =	ssyncset.done $0x0  }
0x23: {  	s22 =	sadd.s32 $0x0, s6;
	s21 =	simm.s32 $0x180;
	[sflag:s11] =	ssyncadd.s32 $0xFFFFFF80  }
.LBB2_6:
0x24: {  	[tilespmem:s19], [sflag:$0x2] =	stream.linear.gather [hbm4b:s22+s3], $0x80, $0x38;
	[tilespmem:$0x4100] =	vst v63  }
0x25: {  	s22 =	smov.u32 s20;
	s19 =	smov.u32 s21;
	p0 =	sne.s32 s20, $0x1F0  }
.Ltmp2:
0x26: {  	s20 =	sadd.s32 $0x10, s20;
	(pc) =	sbr.rel @p0 .LBB2_6-.Ltmp2, $2  }
0x27: {  	_ =	sdelay $0x2  }
0x28: {  	s21 =	sadd.s32 $0x100, s21;
	s22 =	sadd.s32 s22, s6  }
0x29: {  	[tilespmem:s19], [sflag:$0x2] =	stream.linear.gather [hbm4b:s22+s3], $0x80, $0x38;
	[tilespmem:$0x4100] =	vst v63  }
0x2a: {  	s19 =	simm.s32 $0x2080  }
0x2b: {  	s20 =	simm.s32 $0x10;
	s22 =	sadd.s32 $0x0, s7;
	s21 =	simm.s32 $0x2180  }
.LBB2_8:
0x2c: {  	[tilespmem:s19], [sflag:$0x4] =	stream.linear.gather [hbm4b:s22+s3], $0x80, $0x38;
	[tilespmem:$0x4100] =	vst v63  }
0x2d: {  	s22 =	smov.u32 s20;
	s19 =	smov.u32 s21;
	p0 =	sne.s32 s20, $0x1F0  }
.Ltmp3:
0x2e: {  	s20 =	sadd.s32 $0x10, s20;
	(pc) =	sbr.rel @p0 .LBB2_8-.Ltmp3, $2  }
0x2f: {  	_ =	sdelay $0x2  }
0x30: {  	s21 =	sadd.s32 $0x100, s21;
	s22 =	sadd.s32 s22, s7  }
0x31: {  	[tilespmem:s19], [sflag:$0x4] =	stream.linear.gather [hbm4b:s22+s3], $0x80, $0x38;
	[tilespmem:$0x4100] =	vst v63  }
0x32: {  	_ =	swait.ge [sflag:s12], $0x1000  }
0x33: {  	[sflag:s12] =	ssyncset.done $0x0  }
0x34: {  	[sflag:s12] =	ssyncadd.s32 $0xFFFFF000  }
0x35: {  	_ =	swait.ge [sflag:s13], $0x1000  }
0x36: {  	[sflag:s13] =	ssyncset.done $0x0  }
0x37: {  	s21 =	simm.s32 $0x100;
	[sflag:s13] =	ssyncadd.s32 $0xFFFFF000  }
0x38: {  	v0 =	vld [tilespmem:s21+$0x60]  }
0x39: {  	v2 =	vld [tilespmem:s21+$0x70]  }
0x3a: {  	v3 =	vld [tilespmem:s21+$0x40]  }
0x3b: {  	v4 =	vld [tilespmem:s21+$0x50]  }
0x3c: {  	v5 =	vld [tilespmem:s21+$0x20]  }
0x3d: {  	v7 =	vld [tilespmem:s21+$0x30]  }
0x3e: {  	v8 =	vld [tilespmem:s21+$0x0]  }
0x3f: {  	v12 =	vld [tilespmem:s21+$0x10]  }
0x40: {  	v14 =	vld [tilespmem:s21+$0xFFFFFF60]  }
0x41: {  	s19 =	simm.s32 $0x2100;
	v1 =	vld [tilespmem:s21+$0xFFFFFF70]  }
0x42: {  	v6 =	vld [tilespmem:s19+$0x60]  }
0x43: {  	v10 =	vld [tilespmem:s19+$0x70]  }
0x44: {  	v17 =	vld [tilespmem:s21+$0xFFFFFF40]  }
0x45: {  	v13 =	vld [tilespmem:s19+$0x40]  }
0x46: {  	v15 =	vld [tilespmem:s19+$0x50]  }
0x47: {  	v19 =	vld [tilespmem:s21+$0xFFFFFF20]  }
0x48: {  	v9 =	vld [tilespmem:s21+$0xFFFFFF30]  }
0x49: {  	v18 =	vld [tilespmem:s19+$0x20]  }
0x4a: {  	v20 =	vld [tilespmem:s19+$0x30]  }
0x4b: {  	v16 =	vld [tilespmem:s21+$0xFFFFFF00]  }
0x4c: {  	v11 =	vld [tilespmem:s21+$0xFFFFFF10]  }
0x4d: {  	v21 =	vld [tilespmem:s19+$0x0]  }
0x4e: {  	v22 =	vld [tilespmem:s19+$0x10]  }
0x4f: {  	v23 =	vld [tilespmem:s19+$0xFFFFFF60]  }
0x50: {  	v24 =	vld [tilespmem:s19+$0xFFFFFF70]  }
0x51: {  	v25 =	vld [tilespmem:s19+$0xFFFFFF40]  }
0x52: {  	v28 =	vld [tilespmem:s19+$0xFFFFFF50]  }
0x53: {  	v26 =	vld [tilespmem:s19+$0xFFFFFF20]  }
0x54: {  	v27 =	vld [tilespmem:s19+$0xFFFFFF30]  }
0x55: {  	v29 =	vld [tilespmem:s19+$0xFFFFFF00]  }
0x56: {  	v30 =	vld [tilespmem:s19+$0xFFFFFF10]  }
0x57: {  	v6 =	vld.idx.msk [tilespmem:v6+s10+$0x0], $0xffff  }
0x58: {  	v10 =	vld.idx.msk [tilespmem:v10+s10+$0x0], $0xffff  }
0x59: {  	v13 =	vld.idx.msk [tilespmem:v13+s10+$0x0], $0xffff  }
0x5a: {  	v15 =	vld.idx.msk [tilespmem:v15+s10+$0x0], $0xffff  }
0x5b: {  	v18 =	vld.idx.msk [tilespmem:v18+s10+$0x0], $0xffff  }
0x5c: {  	v20 =	vld.idx.msk [tilespmem:v20+s10+$0x0], $0xffff  }
0x5d: {  	v21 =	vld.idx.msk [tilespmem:v21+s10+$0x0], $0xffff  }
0x5e: {  	v22 =	vld.idx.msk [tilespmem:v22+s10+$0x0], $0xffff  }
0x5f: {  	v23 =	vld.idx.msk [tilespmem:v23+s10+$0x0], $0xffff  }
0x60: {  	v31 =	vld.idx.msk [tilespmem:v25+s10+$0x0], $0xffff;
	v0 =	vsub.f32 v6, v0;
	v32 =	vsub.f32 v13, v3  }
0x61: {  	v33 =	vld.idx.msk [tilespmem:v26+s10+$0x0], $0xffff;
	v2 =	vsub.f32 v10, v2;
	v34 =	vsub.f32 v18, v5  }
0x62: {  	v26 =	vld.idx.msk [tilespmem:v29+s10+$0x0], $0xffff;
	v13 =	vimm.f32 $0.0e+00;
	v6 =	vsub.f32 v15, v4;
	v4 =	vsub.f32 v21, v8  }
0x63: {  	v25 =	vld.idx.msk [tilespmem:v30+s10+$0x0], $0xffff;
	v10 =	vsub.f32 v20, v7;
	v15 =	vsub.f32 v22, v12;
	v3 =	vmul.f32 $8.999999760e-01, v0  }
0x64: {  	v22 =	vld.idx.msk [tilespmem:v27+s10+$0x0], $0xffff;
	v21 =	vsub.f32 v23, v14;
	v7 =	vmul.f32 $8.999999760e-01, v32;
	v5 =	vmul.f32 $-1.000000010e-01, v0  }
0x65: {  	v23 =	vld.idx.msk [tilespmem:v24+s10+$0x0], $0xffff;
	v27 =	vsub.f32 v31, v17;
	v12 =	vmul.f32 $8.999999760e-01, v34;
	v8 =	vmul.f32 $-1.000000010e-01, v32  }
0x66: {  	v24 =	vld.idx.msk [tilespmem:v28+s10+$0x0], $0xffff;
	v28 =	vsub.f32 v33, v19;
	v18 =	vmul.f32 $8.999999760e-01, v4;
	v14 =	vmul.f32 $-1.000000010e-01, v34  }
0x67: {  	s20 =	simm.s32 $0x0;
	v29 =	vld [tilespmem:s21+$0xFFFFFF50];
	s21 =	simm.s32 $0x300;
	v17 =	vimm.f32 $0.0e+00;
	v20 =	vmul.f32 $8.999999760e-01, v21;
	v19 =	vmul.f32 $-1.000000010e-01, v4  }
.LBB2_10:
0x68: {  	v0 =	vld [tilespmem:s21+$0x60];
	v16 =	vsub.f32 v26, v16;
	v26 =	vmul.f32 $8.999999760e-01, v27;
	v30 =	vmul.f32 $-1.000000010e-01, v21  }
0x69: {  	v11 =	vsub.f32 v25, v11;
	v27 =	vmul.f32 $-1.000000010e-01, v27;
	v4 =	vld [tilespmem:s21+$0x70];
	v25 =	vmul.f32 $8.999999760e-01, v28  }
0x6a: {  	v9 =	vsub.f32 v22, v9;
	v21 =	vld [tilespmem:s21+$0x40];
	v31 =	vmul.f32 $8.999999760e-01, v16;
	v16 =	vmul.f32 $-1.000000010e-01, v16  }
0x6b: {  	v32 =	vmul.f32 $8.999999760e-01, v11;
	v11 =	vmul.f32 $-1.000000010e-01, v11;
	v33 =	vsub.f32 v23, v1;
	v22 =	vld [tilespmem:s21+$0x50]  }
0x6c: {  	v1 =	vmul.f32 $-1.000000010e-01, v28;
	v28 =	vmul.f32 $8.999999760e-01, v9;
	v23 =	vld [tilespmem:s21+$0x20];
	v29 =	vsub.f32 v24, v29  }
0x6d: {  	v9 =	vmul.f32 $-1.000000010e-01, v9;
	v16 =	vmax.f32 v31, v16;
	v11 =	vmax.f32 v32, v11;
	v24 =	vld [tilespmem:s21+$0x30]  }
0x6e: {  	v13 =	vadd.f32 v16, v13;
	v11 =	vadd.f32 v11, v17;
	v31 =	vld [tilespmem:s21+$0x0];
	v16 =	vmul.f32 $8.999999760e-01, v29  }
0x6f: {  	v1 =	vmax.f32 v25, v1;
	v9 =	vmax.f32 v28, v9;
	v17 =	vmul.f32 $-1.000000010e-01, v29;
	v32 =	vld [tilespmem:s21+$0x10]  }
0x70: {  	v13 =	vadd.f32 v1, v13;
	v9 =	vadd.f32 v9, v11;
	v11 =	vmul.f32 $8.999999760e-01, v33;
	v28 =	vld [tilespmem:s21+$0xFFFFFF60]  }
0x71: {  	s19 =	sadd.s32 $0x200, s19;
	v25 =	vmax.f32 v26, v27;
	v16 =	vmax.f32 v16, v17;
	v17 =	vmul.f32 $-1.000000010e-01, v33;
	v1 =	vld [tilespmem:s21+$0xFFFFFF70]  }
0x72: {  	v13 =	vadd.f32 v25, v13;
	v9 =	vadd.f32 v16, v9;
	v16 =	vmul.f32 $8.999999760e-01, v15;
	v26 =	vld [tilespmem:s19+$0x60]  }
0x73: {  	v20 =	vmax.f32 v20, v30;
	v15 =	vmul.f32 $-1.000000010e-01, v15;
	v11 =	vmax.f32 v11, v17;
	v25 =	vld [tilespmem:s19+$0x70]  }
0x74: {  	v13 =	vadd.f32 v20, v13;
	v9 =	vadd.f32 v11, v9;
	v11 =	vmul.f32 $8.999999760e-01, v10;
	v27 =	vld [tilespmem:s21+$0xFFFFFF40]  }
0x75: {  	v17 =	vmax.f32 v18, v19;
	v15 =	vmax.f32 v16, v15;
	v10 =	vmul.f32 $-1.000000010e-01, v10;
	v20 =	vld [tilespmem:s19+$0x40]  }
0x76: {  	v16 =	vmul.f32 $8.999999760e-01, v6;
	v13 =	vadd.f32 v17, v13;
	v15 =	vadd.f32 v15, v9;
	v18 =	vld [tilespmem:s19+$0x50]  }
0x77: {  	v12 =	vmax.f32 v12, v14;
	v6 =	vmul.f32 $-1.000000010e-01, v6;
	v10 =	vmax.f32 v11, v10;
	v19 =	vld [tilespmem:s21+$0xFFFFFF20]  }
0x78: {  	v11 =	vadd.f32 v12, v13;
	v10 =	vadd.f32 v10, v15;
	v12 =	vmul.f32 $8.999999760e-01, v2;
	v9 =	vld [tilespmem:s21+$0xFFFFFF30]  }
0x79: {  	v7 =	vmax.f32 v7, v8;
	v6 =	vmax.f32 v16, v6;
	v2 =	vmul.f32 $-1.000000010e-01, v2;
	v14 =	vld [tilespmem:s19+$0x20]  }
0x7a: {  	v7 =	vadd.f32 v7, v11;
	v6 =	vadd.f32 v6, v10;
	v8 =	vld [tilespmem:s19+$0x30]  }
0x7b: {  	v3 =	vmax.f32 v3, v5;
	v2 =	vmax.f32 v12, v2;
	v16 =	vld [tilespmem:s21+$0xFFFFFF00]  }
0x7c: {  	v13 =	vadd.f32 v3, v7;
	v17 =	vadd.f32 v2, v6;
	v11 =	vld [tilespmem:s21+$0xFFFFFF10]  }
0x7d: {  	v2 =	vld [tilespmem:s19+$0x0]  }
0x7e: {  	v3 =	vld [tilespmem:s19+$0x10]  }
0x7f: {  	v5 =	vld [tilespmem:s19+$0xFFFFFF60]  }
0x80: {  	v12 =	vld [tilespmem:s19+$0xFFFFFF70]  }
0x81: {  	v6 =	vld [tilespmem:s19+$0xFFFFFF40]  }
0x82: {  	v29 =	vld [tilespmem:s19+$0xFFFFFF50]  }
0x83: {  	v7 =	vld [tilespmem:s19+$0xFFFFFF20]  }
0x84: {  	v15 =	vld [tilespmem:s19+$0xFFFFFF30]  }
0x85: {  	v10 =	vld [tilespmem:s19+$0xFFFFFF00]  }
0x86: {  	v30 =	vld [tilespmem:s19+$0xFFFFFF10]  }
0x87: {  	v26 =	vld.idx.msk [tilespmem:v26+s10+$0x0], $0xffff  }
0x88: {  	v25 =	vld.idx.msk [tilespmem:v25+s10+$0x0], $0xffff  }
0x89: {  	v20 =	vld.idx.msk [tilespmem:v20+s10+$0x0], $0xffff  }
0x8a: {  	v18 =	vld.idx.msk [tilespmem:v18+s10+$0x0], $0xffff  }
0x8b: {  	s20 =	sadd.s32 $0x100, s20;
	v14 =	vld.idx.msk [tilespmem:v14+s10+$0x0], $0xffff  }
0x8c: {  	p0 =	slt.u32 s20, $0xF00;
	v8 =	vld.idx.msk [tilespmem:v8+s10+$0x0], $0xffff  }
0x8d: {  	v33 =	vld.idx.msk [tilespmem:v2+s10+$0x0], $0xffff  }
0x8e: {  	v34 =	vld.idx.msk [tilespmem:v3+s10+$0x0], $0xffff  }
0x8f: {  	v0 =	vsub.f32 v26, v0;
	v35 =	vld.idx.msk [tilespmem:v5+s10+$0x0], $0xffff  }
0x90: {  	v36 =	vld.idx.msk [tilespmem:v6+s10+$0x0], $0xffff  }
0x91: {  	v2 =	vsub.f32 v25, v4;
	v20 =	vsub.f32 v20, v21;
	v3 =	vmul.f32 $8.999999760e-01, v0;
	v37 =	vld.idx.msk [tilespmem:v7+s10+$0x0], $0xffff  }
0x92: {  	v5 =	vmul.f32 $-1.000000010e-01, v0;
	v4 =	vsub.f32 v14, v23;
	v6 =	vsub.f32 v18, v22;
	v26 =	vld.idx.msk [tilespmem:v10+s10+$0x0], $0xffff  }
.Ltmp4:
0x93: {  	v7 =	vmul.f32 $8.999999760e-01, v20;
	v10 =	vsub.f32 v8, v24;
	v25 =	vld.idx.msk [tilespmem:v30+s10+$0x0], $0xffff;
	v30 =	vsub.f32 v33, v31;
	(pc) =	sbr.rel @p0 .LBB2_10-.Ltmp4, $4  }
0x94: {  	v8 =	vmul.f32 $-1.000000010e-01, v20;
	v22 =	vld.idx.msk [tilespmem:v15+s10+$0x0], $0xffff;
	v15 =	vsub.f32 v34, v32;
	v21 =	vsub.f32 v35, v28  }
0x95: {  	v14 =	vmul.f32 $-1.000000010e-01, v4;
	v23 =	vld.idx.msk [tilespmem:v12+s10+$0x0], $0xffff;
	v12 =	vmul.f32 $8.999999760e-01, v4  }
0x96: {  	v27 =	vsub.f32 v36, v27;
	v18 =	vmul.f32 $8.999999760e-01, v30;
	v24 =	vld.idx.msk [tilespmem:v29+s10+$0x0], $0xffff;
	v20 =	vmul.f32 $8.999999760e-01, v21  }
0x97: {  	v28 =	vsub.f32 v37, v19;
	v19 =	vmul.f32 $-1.000000010e-01, v30;
	v29 =	vld [tilespmem:s21+$0xFFFFFF50];
	s21 =	sadd.s32 $0x200, s21  }
0x98: {  	_ =	swait.ge [sflag:s14], $0x1000  }
0x99: {  	[sflag:s14] =	ssyncset.done $0x0  }
0x9a: {  	[sflag:s14] =	ssyncadd.s32 $0xFFFFF000  }
0x9b: {  	_ =	swait.ge [sflag:s15], $0x1000  }
0x9c: {  	[sflag:s15] =	ssyncset.done $0x0  }
0x9d: {  	s21 =	simm.s32 $0x180;
	[sflag:s15] =	ssyncadd.s32 $0xFFFFF000  }
0x9e: {  	v30 =	vld [tilespmem:s21+$0x60]  }
0x9f: {  	v31 =	vld [tilespmem:s21+$0x70]  }
0xa0: {  	v32 =	vld [tilespmem:s21+$0x40]  }
0xa1: {  	v33 =	vld [tilespmem:s21+$0x50]  }
0xa2: {  	v34 =	vld [tilespmem:s21+$0x20]  }
0xa3: {  	v35 =	vld [tilespmem:s21+$0x30]  }
0xa4: {  	v36 =	vld [tilespmem:s21+$0x0]  }
0xa5: {  	v37 =	vld [tilespmem:s21+$0x10]  }
0xa6: {  	v38 =	vld [tilespmem:s21+$0xFFFFFF60]  }
0xa7: {  	s19 =	simm.s32 $0x2180;
	v0 =	vld [tilespmem:s21+$0xFFFFFF70]  }
0xa8: {  	v39 =	vld [tilespmem:s19+$0x60]  }
0xa9: {  	v40 =	vld [tilespmem:s19+$0x70]  }
0xaa: {  	v41 =	vld [tilespmem:s21+$0xFFFFFF40]  }
0xab: {  	v42 =	vld [tilespmem:s19+$0x40]  }
0xac: {  	v43 =	vld [tilespmem:s19+$0x50]  }
0xad: {  	v44 =	vld [tilespmem:s21+$0xFFFFFF20]  }
0xae: {  	v16 =	vsub.f32 v26, v16;
	v4 =	vld [tilespmem:s21+$0xFFFFFF30]  }
0xaf: {  	v45 =	vmul.f32 $8.999999760e-01, v27;
	v25 =	vsub.f32 v25, v11;
	v27 =	vmul.f32 $-1.000000010e-01, v27;
	v26 =	vld [tilespmem:s19+$0x20]  }
0xb0: {  	v47 =	vmul.f32 $8.999999760e-01, v16;
	v16 =	vmul.f32 $-1.000000010e-01, v16;
	v46 =	vld [tilespmem:s19+$0x30]  }
0xb1: {  	v22 =	vsub.f32 v22, v9;
	v48 =	vmul.f32 $8.999999760e-01, v25;
	v25 =	vmul.f32 $-1.000000010e-01, v25;
	v11 =	vld [tilespmem:s21+$0xFFFFFF00]  }
0xb2: {  	v1 =	vsub.f32 v23, v1;
	v23 =	vmul.f32 $8.999999760e-01, v28;
	v24 =	vsub.f32 v24, v29;
	v29 =	vld [tilespmem:s19+$0x0]  }
0xb3: {  	v28 =	vmul.f32 $-1.000000010e-01, v28;
	v61 =	vmul.f32 $8.999999760e-01, v22;
	v16 =	vmax.f32 v47, v16;
	v60 =	vld [tilespmem:s19+$0x10]  }
0xb4: {  	v22 =	vmul.f32 $-1.000000010e-01, v22;
	v25 =	vmax.f32 v48, v25;
	v13 =	vadd.f32 v16, v13;
	v16 =	vld [tilespmem:s19+$0xFFFFFF60]  }
0xb5: {  	v21 =	vmul.f32 $-1.000000010e-01, v21;
	v17 =	vadd.f32 v25, v17;
	v25 =	vld [tilespmem:s19+$0xFFFFFF70]  }
0xb6: {  	v27 =	vmax.f32 v45, v27;
	v23 =	vmax.f32 v23, v28;
	v22 =	vmax.f32 v61, v22;
	v62 =	vld [tilespmem:s19+$0xFFFFFF40]  }
0xb7: {  	v28 =	vmul.f32 $8.999999760e-01, v24;
	v24 =	vmul.f32 $-1.000000010e-01, v24;
	v63 =	vld [tilespmem:s19+$0xFFFFFF20];
	v13 =	vadd.f32 v23, v13  }
0xb8: {  	v20 =	vmax.f32 v20, v21;
	v21 =	vld [tilespmem:s19+$0xFFFFFF00];
	v17 =	vadd.f32 v22, v17;
	v23 =	vmul.f32 $8.999999760e-01, v1  }
0xb9: {  	v22 =	vld [tilespmem:s19+$0xFFFFFF50];
	v1 =	vmul.f32 $-1.000000010e-01, v1;
	v24 =	vmax.f32 v28, v24;
	v13 =	vadd.f32 v27, v13  }
0xba: {  	v27 =	vld [tilespmem:s19+$0xFFFFFF30];
	v17 =	vadd.f32 v24, v17  }
0xbb: {  	v1 =	vmax.f32 v23, v1;
	v23 =	vmul.f32 $8.999999760e-01, v15;
	v13 =	vadd.f32 v20, v13;
	v20 =	vld [tilespmem:s19+$0xFFFFFF10]  }
0xbc: {  	v15 =	vmul.f32 $-1.000000010e-01, v15;
	v1 =	vadd.f32 v1, v17;
	v17 =	vmax.f32 v18, v19;
	v18 =	vld.idx.msk [tilespmem:v39+s10+$0x0], $0xffff  }
0xbd: {  	v12 =	vmax.f32 v12, v14;
	v13 =	vadd.f32 v17, v13;
	v17 =	vld.idx.msk [tilespmem:v40+s10+$0x0], $0xffff  }
0xbe: {  	v14 =	vmul.f32 $8.999999760e-01, v6;
	v6 =	vmul.f32 $-1.000000010e-01, v6;
	v15 =	vmax.f32 v23, v15;
	v19 =	vld.idx.msk [tilespmem:v42+s10+$0x0], $0xffff  }
0xbf: {  	v1 =	vadd.f32 v15, v1;
	v15 =	vmul.f32 $8.999999760e-01, v10;
	v10 =	vmul.f32 $-1.000000010e-01, v10;
	v23 =	vld.idx.msk [tilespmem:v43+s10+$0x0], $0xffff  }
0xc0: {  	v7 =	vmax.f32 v7, v8;
	v8 =	vld.idx.msk [tilespmem:v46+s10+$0x0], $0xffff  }
0xc1: {  	v6 =	vmax.f32 v14, v6;
	v14 =	vld.idx.msk [tilespmem:v16+s10+$0x0], $0xffff;
	v10 =	vmax.f32 v15, v10;
	v12 =	vadd.f32 v12, v13  }
0xc2: {  	v16 =	vld.idx.msk [tilespmem:v62+s10+$0x0], $0xffff;
	v1 =	vadd.f32 v10, v1  }
0xc3: {  	v13 =	vld.idx.msk [tilespmem:v26+s10+$0x0], $0xffff;
	v7 =	vadd.f32 v7, v12  }
0xc4: {  	v3 =	vmax.f32 v3, v5;
	v24 =	vld.idx.msk [tilespmem:v63+s10+$0x0], $0xffff;
	v10 =	vmul.f32 $8.999999760e-01, v2;
	v1 =	vadd.f32 v6, v1  }
0xc5: {  	v2 =	vmul.f32 $-1.000000010e-01, v2;
	v12 =	vld.idx.msk [tilespmem:v29+s10+$0x0], $0xffff;
	v7 =	vadd.f32 v3, v7;
	v3 =	vsub.f32 v18, v30  }
0xc6: {  	v6 =	vld.idx.msk [tilespmem:v60+s10+$0x0], $0xffff;
	v26 =	vsub.f32 v19, v32;
	v5 =	vsub.f32 v23, v33  }
0xc7: {  	v2 =	vmax.f32 v10, v2;
	v18 =	vld.idx.msk [tilespmem:v27+s10+$0x0], $0xffff;
	v27 =	vsub.f32 v14, v38;
	v28 =	vsub.f32 v16, v41  }
0xc8: {  	v9 =	vld [tilespmem:s21+$0xFFFFFF10];
	v10 =	vadd.f32 v2, v1;
	v29 =	vsub.f32 v13, v34  }
0xc9: {  	v15 =	vld.idx.msk [tilespmem:v21+s10+$0x0], $0xffff;
	v1 =	vsub.f32 v17, v31;
	v2 =	vmul.f32 $8.999999760e-01, v3;
	v3 =	vmul.f32 $-1.000000010e-01, v3  }
0xca: {  	v17 =	vld.idx.msk [tilespmem:v20+s10+$0x0], $0xffff;
	v23 =	vsub.f32 v12, v36;
	v12 =	vsub.f32 v8, v35;
	v13 =	vmul.f32 $8.999999760e-01, v29  }
0xcb: {  	v21 =	vld.idx.msk [tilespmem:v22+s10+$0x0], $0xffff;
	v8 =	vmul.f32 $-1.000000010e-01, v26;
	v16 =	vmul.f32 $-1.000000010e-01, v29;
	v19 =	vsub.f32 v6, v37  }
0xcc: {  	v20 =	vld.idx.msk [tilespmem:v25+s10+$0x0], $0xffff;
	v6 =	vmul.f32 $8.999999760e-01, v26;
	v26 =	vsub.f32 v24, v44;
	v24 =	vmul.f32 $8.999999760e-01, v27  }
0xcd: {  	s20 =	simm.s32 $0x0;
	v25 =	vld [tilespmem:s21+$0xFFFFFF50];
	s21 =	simm.s32 $0x380;
	v22 =	vmul.f32 $8.999999760e-01, v23;
	v23 =	vmul.f32 $-1.000000010e-01, v23  }
.LBB2_12:
0xce: {  	v14 =	vld [tilespmem:s21+$0x60];
	v11 =	vsub.f32 v15, v11;
	v29 =	vmul.f32 $8.999999760e-01, v28;
	v27 =	vmul.f32 $-1.000000010e-01, v27  }
0xcf: {  	v9 =	vsub.f32 v17, v9;
	v28 =	vmul.f32 $-1.000000010e-01, v28;
	v15 =	vld [tilespmem:s21+$0x70];
	v30 =	vmul.f32 $8.999999760e-01, v26  }
0xd0: {  	v4 =	vsub.f32 v18, v4;
	v17 =	vld [tilespmem:s21+$0x40];
	v31 =	vmul.f32 $8.999999760e-01, v11;
	v11 =	vmul.f32 $-1.000000010e-01, v11  }
0xd1: {  	v32 =	vmul.f32 $8.999999760e-01, v9;
	v9 =	vmul.f32 $-1.000000010e-01, v9;
	v33 =	vsub.f32 v20, v0;
	v18 =	vld [tilespmem:s21+$0x50]  }
0xd2: {  	v0 =	vmul.f32 $-1.000000010e-01, v26;
	v26 =	vmul.f32 $8.999999760e-01, v4;
	v20 =	vld [tilespmem:s21+$0x20];
	v25 =	vsub.f32 v21, v25  }
0xd3: {  	v4 =	vmul.f32 $-1.000000010e-01, v4;
	v11 =	vmax.f32 v31, v11;
	v9 =	vmax.f32 v32, v9;
	v21 =	vld [tilespmem:s21+$0x30]  }
0xd4: {  	v7 =	vadd.f32 v11, v7;
	v9 =	vadd.f32 v9, v10;
	v31 =	vld [tilespmem:s21+$0x0];
	v10 =	vmul.f32 $8.999999760e-01, v25  }
0xd5: {  	v0 =	vmax.f32 v30, v0;
	v4 =	vmax.f32 v26, v4;
	v11 =	vmul.f32 $-1.000000010e-01, v25;
	v32 =	vld [tilespmem:s21+$0x10]  }
0xd6: {  	v7 =	vadd.f32 v0, v7;
	v4 =	vadd.f32 v4, v9;
	v9 =	vmul.f32 $8.999999760e-01, v33;
	v25 =	vld [tilespmem:s21+$0xFFFFFF60]  }
0xd7: {  	s19 =	sadd.s32 $0x200, s19;
	v26 =	vmax.f32 v29, v28;
	v10 =	vmax.f32 v10, v11;
	v11 =	vmul.f32 $-1.000000010e-01, v33;
	v0 =	vld [tilespmem:s21+$0xFFFFFF70]  }
0xd8: {  	v7 =	vadd.f32 v26, v7;
	v4 =	vadd.f32 v10, v4;
	v10 =	vmul.f32 $8.999999760e-01, v19;
	v28 =	vld [tilespmem:s19+$0x60]  }
0xd9: {  	v24 =	vmax.f32 v24, v27;
	v9 =	vmax.f32 v9, v11;
	v11 =	vmul.f32 $-1.000000010e-01, v19;
	v26 =	vld [tilespmem:s19+$0x70]  }
0xda: {  	v7 =	vadd.f32 v24, v7;
	v4 =	vadd.f32 v9, v4;
	v9 =	vmul.f32 $8.999999760e-01, v12;
	v29 =	vld [tilespmem:s21+$0xFFFFFF40]  }
0xdb: {  	v22 =	vmax.f32 v22, v23;
	v10 =	vmax.f32 v10, v11;
	v11 =	vmul.f32 $-1.000000010e-01, v12;
	v19 =	vld [tilespmem:s19+$0x40]  }
0xdc: {  	v7 =	vadd.f32 v22, v7;
	v10 =	vadd.f32 v10, v4;
	v22 =	vmul.f32 $8.999999760e-01, v5;
	v12 =	vld [tilespmem:s19+$0x50]  }
0xdd: {  	v13 =	vmax.f32 v13, v16;
	v5 =	vmul.f32 $-1.000000010e-01, v5;
	v9 =	vmax.f32 v9, v11;
	v23 =	vld [tilespmem:s21+$0xFFFFFF20]  }
0xde: {  	v7 =	vadd.f32 v13, v7;
	v9 =	vadd.f32 v9, v10;
	v10 =	vmul.f32 $8.999999760e-01, v1;
	v4 =	vld [tilespmem:s21+$0xFFFFFF30]  }
0xdf: {  	v6 =	vmax.f32 v6, v8;
	v5 =	vmax.f32 v22, v5;
	v1 =	vmul.f32 $-1.000000010e-01, v1;
	v13 =	vld [tilespmem:s19+$0x20]  }
0xe0: {  	v6 =	vadd.f32 v6, v7;
	v5 =	vadd.f32 v5, v9;
	v8 =	vld [tilespmem:s19+$0x30]  }
0xe1: {  	v2 =	vmax.f32 v2, v3;
	v1 =	vmax.f32 v10, v1;
	v11 =	vld [tilespmem:s21+$0xFFFFFF00]  }
0xe2: {  	v7 =	vadd.f32 v2, v6;
	v10 =	vadd.f32 v1, v5;
	v9 =	vld [tilespmem:s21+$0xFFFFFF10]  }
0xe3: {  	v1 =	vld [tilespmem:s19+$0x0]  }
0xe4: {  	v2 =	vld [tilespmem:s19+$0x10]  }
0xe5: {  	v3 =	vld [tilespmem:s19+$0xFFFFFF60]  }
0xe6: {  	v16 =	vld [tilespmem:s19+$0xFFFFFF70]  }
0xe7: {  	v5 =	vld [tilespmem:s19+$0xFFFFFF40]  }
0xe8: {  	v22 =	vld [tilespmem:s19+$0xFFFFFF50]  }
0xe9: {  	v6 =	vld [tilespmem:s19+$0xFFFFFF20]  }
0xea: {  	v24 =	vld [tilespmem:s19+$0xFFFFFF30]  }
0xeb: {  	v27 =	vld [tilespmem:s19+$0xFFFFFF00]  }
0xec: {  	v30 =	vld [tilespmem:s19+$0xFFFFFF10]  }
0xed: {  	v28 =	vld.idx.msk [tilespmem:v28+s10+$0x0], $0xffff  }
0xee: {  	v26 =	vld.idx.msk [tilespmem:v26+s10+$0x0], $0xffff  }
0xef: {  	v19 =	vld.idx.msk [tilespmem:v19+s10+$0x0], $0xffff  }
0xf0: {  	v12 =	vld.idx.msk [tilespmem:v12+s10+$0x0], $0xffff  }
0xf1: {  	s20 =	sadd.s32 $0x100, s20;
	v13 =	vld.idx.msk [tilespmem:v13+s10+$0x0], $0xffff  }
0xf2: {  	p0 =	slt.u32 s20, $0xF00;
	v8 =	vld.idx.msk [tilespmem:v8+s10+$0x0], $0xffff  }
0xf3: {  	v33 =	vld.idx.msk [tilespmem:v1+s10+$0x0], $0xffff  }
0xf4: {  	v34 =	vld.idx.msk [tilespmem:v2+s10+$0x0], $0xffff  }
0xf5: {  	v35 =	vld.idx.msk [tilespmem:v3+s10+$0x0], $0xffff  }
0xf6: {  	v1 =	vsub.f32 v26, v15;
	v3 =	vsub.f32 v28, v14;
	v36 =	vld.idx.msk [tilespmem:v5+s10+$0x0], $0xffff  }
0xf7: {  	v28 =	vsub.f32 v19, v17;
	v26 =	vsub.f32 v13, v20;
	v14 =	vld.idx.msk [tilespmem:v6+s10+$0x0], $0xffff  }
0xf8: {  	v5 =	vsub.f32 v12, v18;
	v12 =	vsub.f32 v8, v21;
	v2 =	vmul.f32 $8.999999760e-01, v3;
	v15 =	vld.idx.msk [tilespmem:v27+s10+$0x0], $0xffff  }
.Ltmp5:
0xf9: {  	v6 =	vmul.f32 $8.999999760e-01, v28;
	v3 =	vmul.f32 $-1.000000010e-01, v3;
	v17 =	vld.idx.msk [tilespmem:v30+s10+$0x0], $0xffff;
	v30 =	vsub.f32 v33, v31;
	(pc) =	sbr.rel @p0 .LBB2_12-.Ltmp5, $4  }
0xfa: {  	v8 =	vmul.f32 $-1.000000010e-01, v28;
	v19 =	vsub.f32 v34, v32;
	v18 =	vld.idx.msk [tilespmem:v24+s10+$0x0], $0xffff;
	v27 =	vsub.f32 v35, v25  }
0xfb: {  	v13 =	vmul.f32 $8.999999760e-01, v26;
	v20 =	vld.idx.msk [tilespmem:v16+s10+$0x0], $0xffff;
	v16 =	vmul.f32 $-1.000000010e-01, v26  }
0xfc: {  	v28 =	vsub.f32 v36, v29;
	v21 =	vld.idx.msk [tilespmem:v22+s10+$0x0], $0xffff;
	v22 =	vmul.f32 $8.999999760e-01, v30;
	v24 =	vmul.f32 $8.999999760e-01, v27  }
0xfd: {  	v26 =	vsub.f32 v14, v23;
	v23 =	vmul.f32 $-1.000000010e-01, v30;
	v25 =	vld [tilespmem:s21+$0xFFFFFF50];
	s21 =	sadd.s32 $0x200, s21  }
0xfe: {  	v14 =	vmul.f32 $8.999999760e-01, v28  }
0xff: {  	v11 =	vsub.f32 v15, v11;
	v41 =	vmul.f32 $-1.000000010e-01, v27;
	v43 =	vmul.f32 $-1.000000010e-01, v28  }
0x100: {  	v9 =	vsub.f32 v17, v9;
	v42 =	vmul.f32 $8.999999760e-01, v26;
	v46 =	vmul.f32 $-1.000000010e-01, v26  }
0x101: {  	v4 =	vsub.f32 v18, v4;
	v44 =	vmul.f32 $8.999999760e-01, v11;
	v11 =	vmul.f32 $-1.000000010e-01, v11  }
0x102: {  	v45 =	vmul.f32 $8.999999760e-01, v9;
	v9 =	vmul.f32 $-1.000000010e-01, v9  }
0x103: {  	v0 =	vsub.f32 v20, v0;
	v47 =	vmul.f32 $8.999999760e-01, v4;
	v4 =	vmul.f32 $-1.000000010e-01, v4  }
0x104: {  	v21 =	vsub.f32 v21, v25;
	v11 =	vmax.f32 v44, v11;
	v9 =	vmax.f32 v45, v9  }
0x105: {  	v49 =	vmax.f32 v42, v46;
	v7 =	vadd.f32 v11, v7;
	v9 =	vadd.f32 v9, v10  }
0x106: {  	v4 =	vmax.f32 v47, v4;
	v48 =	vmul.f32 $8.999999760e-01, v21;
	v50 =	vmul.f32 $-1.000000010e-01, v21  }
0x107: {  	v52 =	vmax.f32 v14, v43;
	v7 =	vadd.f32 v49, v7;
	v4 =	vadd.f32 v4, v9  }
0x108: {  	v51 =	vmul.f32 $8.999999760e-01, v0;
	v0 =	vmul.f32 $-1.000000010e-01, v0;
	v10 =	vmax.f32 v48, v50  }
0x109: {  	v53 =	vmul.f32 $8.999999760e-01, v19;
	v7 =	vadd.f32 v52, v7;
	v4 =	vadd.f32 v10, v4  }
0x10a: {  	v55 =	vmul.f32 $-1.000000010e-01, v19;
	v54 =	vmax.f32 v24, v41;
	v0 =	vmax.f32 v51, v0  }
0x10b: {  	v56 =	vmul.f32 $8.999999760e-01, v12;
	v7 =	vadd.f32 v54, v7;
	v0 =	vadd.f32 v0, v4  }
0x10c: {  	v58 =	vmul.f32 $-1.000000010e-01, v12;
	v57 =	vmax.f32 v22, v23;
	v9 =	vmax.f32 v53, v55  }
0x10d: {  	v59 =	vmul.f32 $8.999999760e-01, v5;
	v7 =	vadd.f32 v57, v7;
	v0 =	vadd.f32 v9, v0  }
0x10e: {  	v60 =	vmax.f32 v13, v16;
	v61 =	vmul.f32 $-1.000000010e-01, v5;
	v4 =	vmax.f32 v56, v58  }
0x10f: {  	v62 =	vmul.f32 $8.999999760e-01, v1;
	v7 =	vadd.f32 v60, v7;
	v0 =	vadd.f32 v4, v0  }
0x110: {  	v6 =	vmax.f32 v6, v8;
	v63 =	vmul.f32 $-1.000000010e-01, v1;
	v5 =	vmax.f32 v59, v61  }
0x111: {  	v6 =	vadd.f32 v6, v7;
	v0 =	vadd.f32 v5, v0  }
0x112: {  	v2 =	vmax.f32 v2, v3;
	v1 =	vmax.f32 v62, v63  }
0x113: {  	v2 =	vadd.f32 v2, v6;
	v0 =	vadd.f32 v1, v0;
	_ =	sdelay $0x1  }
0x114: {  	s18 =	sadd.s32 $0x1, s18;
	v0 =	vadd.f32 v0, v2  }
0x115: {  	p0 =	sne.s32 s18, s9  }
.Ltmp6:
0x116: {  	[tilespmem:$0x4080] =	vst v0;
	(pc) =	sbr.rel @p0 .LBB2_1-.Ltmp6, $4  }
0x117: {  	[hbm4b:s8+s3] =	stream.linear.scatter [tilespmem:s16], [sflag:$0x6], $0x80, $0x38;
	[tilespmem:$0x4100] =	vst v63  }
0x118: {  	_ =	swait.ge [sflag:s17], $0x80  }
0x119: {  	[sflag:s17] =	ssyncset.done $0x0  }
0x11a: {  	[sflag:s17] =	ssyncadd.s32 $0xFFFFFF80  }
0x11b: {  	_ =	sfence.sel $0x180000  }
0x11c: {  	[bflag:$0x0] =	sbarrier.arrive $0xFFFF  }
0x11d: {  	p0 =	sne.s32 s2, $0x0;
	_ =	strace $0x90000047  }
0x11e: {  	s0 =	sadd.s32 @!p0 $0x100000, s0;
	[bflag:$0x2] =	sbarrier.arrive $0xFFFF  }
0x11f: {  	[sflag:s0] =	ssyncadd.tile.s32 @!p0 $0x1;
	_ =	shalt  }
.Lfunc_end2:
_tile_overlayer_lowered:
.L_overlay_start_2:
0x120: {  	(tag) =	ssettag $0x2  }
0x121: {  	s0 =	rddreg [dreg:$0x0];
	s2 =	stileid.u32  }
0x122: {  	s1 =	rddreg [dreg:$0x1];
	p0 =	sne.s32 s2, $0x0  }
0x123: {  	s3 =	rddreg [dreg:$0x2];
	[bflag:$0x3] =	sbarrier.arrive $0xFFFF;
	s2 =	simm.s32 @!p0 $0x1C06  }
0x124: {  	[timem:s3], [sflag:s2] =	dma.local @!p0 [hbm:s0], s1  }
0x125: {  	s0 =	simm.s32 @!p0 $0x6  }
0x126: {  	_ =	swait.ge @!p0 [sflag:s0], s1  }
0x127: {  	s1 =	ssub.s32 @!p0 $0x0, s1;
	[sflag:s0] =	ssyncset.done @!p0 $0x0  }
0x128: {  	[sflag:s0] =	ssyncadd.s32 @!p0 s1  }
0x129: {  	[bflag:$0x3] =	sbarrier.arrive $0xFFFF  }
0x12a: {  	_ =	shalt  }

</sc_bundles>
